<compile_context>
chip_gen: v7x
topology: tpu7x:2x2x1
jax: 0.10.2.dev20260603
libtpu: 0.0.44.dev20260713+nightly
codegen_flags: <defaults>
</compile_context>

<pallas_src>
import jax
import jax.numpy as jnp
from jax import lax
from jax.experimental import pallas as pl
from jax.experimental.pallas import tpu as pltpu
from jax.experimental.pallas import tpu_sc as plsc

_ROWS = 32768
_COLS = 2048

_SC_ROWS = 4096
_TC_ROWS = _ROWS - _SC_ROWS
_TC_BLOCK = 1024
_TC_GRID = _TC_ROWS // _TC_BLOCK

_NC = 2
_NS = 16
_NW = _NC * _NS
_ROWS_PER_W = _SC_ROWS // _NW
_STRIPE = 8
_SC_ITERS = _ROWS_PER_W // _STRIPE
_UNROLL = 4


def _tc_body(x_ref, y_ref, out_ref, acc_ref):
    i = pl.program_id(0)

    @pl.when(i == 0)
    def _init():
        acc_ref[0] = 0.0
        acc_ref[1] = 0.0

    x = x_ref[...]
    y = y_ref[...]
    d = x - y
    acc_ref[0] += jnp.sum(d * d)
    acc_ref[1] += jnp.sum(y * y)

    @pl.when(i == _TC_GRID - 1)
    def _finish():
        out_ref[0] = acc_ref[0]
        out_ref[1] = acc_ref[1]


def _sc_body(x_hbm, y_hbm, out_hbm, xv0, yv0, xv1, yv1, ov, sem0, sem1):
    c = lax.axis_index("c")
    s = lax.axis_index("s")
    wid = s * _NC + c
    base_row = _TC_ROWS + wid * _ROWS_PER_W

    def row_of(i):
        return jnp.minimum(base_row + i * _STRIPE, _ROWS - _STRIPE)

    def start(i, xv, yv, sem):
        r = row_of(i)
        pltpu.async_copy(x_hbm.at[pl.ds(r, _STRIPE)], xv, sem)
        pltpu.async_copy(y_hbm.at[pl.ds(r, _STRIPE)], yv, sem)

    def drain(xv, yv, sem):
        pltpu.make_async_copy(x_hbm.at[pl.ds(0, _STRIPE)], xv, sem).wait()
        pltpu.make_async_copy(y_hbm.at[pl.ds(0, _STRIPE)], yv, sem).wait()

    def process(xv, yv, acc_d, acc_y):
        def inner(k, accs2):
            ad, ay = accs2
            for j in range(_UNROLL):
                col = (k * _UNROLL + j) * 16
                for r in range(_STRIPE):
                    xx = xv[r, pl.ds(col, 16)]
                    yy = yv[r, pl.ds(col, 16)]
                    d = xx - yy
                    ad = ad + d * d
                    ay = ay + yy * yy
            return (ad, ay)

        return lax.fori_loop(0, _COLS // (16 * _UNROLL), inner,
                             (acc_d, acc_y))

    start(0, xv0, yv0, sem0)

    def body(m, accs):
        acc_d, acc_y = accs
        i0 = 2 * m
        drain(xv0, yv0, sem0)
        start(i0 + 1, xv1, yv1, sem1)
        acc_d, acc_y = process(xv0, yv0, acc_d, acc_y)
        drain(xv1, yv1, sem1)
        start(i0 + 2, xv0, yv0, sem0)
        acc_d, acc_y = process(xv1, yv1, acc_d, acc_y)
        return (acc_d, acc_y)

    zero = jnp.zeros((16,), jnp.float32)
    acc_d, acc_y = lax.fori_loop(0, _SC_ITERS // 2, body, (zero, zero))
    drain(xv0, yv0, sem0)
    ov[pl.ds(0, 16)] = acc_d
    ov[pl.ds(16, 16)] = acc_y
    pltpu.sync_copy(ov, out_hbm.at[wid])


def kernel(x, y):
    x2 = x.reshape(_ROWS, _COLS)
    y2 = y.reshape(_ROWS, _COLS)

    mesh = plsc.VectorSubcoreMesh(core_axis_name="c", subcore_axis_name="s")
    sc_partials = pl.kernel(
        _sc_body,
        mesh=mesh,
        out_type=jax.ShapeDtypeStruct((_NW, 32), jnp.float32),
        scratch_types=[
            pltpu.VMEM((_STRIPE, _COLS), jnp.float32),
            pltpu.VMEM((_STRIPE, _COLS), jnp.float32),
            pltpu.VMEM((_STRIPE, _COLS), jnp.float32),
            pltpu.VMEM((_STRIPE, _COLS), jnp.float32),
            pltpu.VMEM((32,), jnp.float32),
            pltpu.SemaphoreType.DMA,
            pltpu.SemaphoreType.DMA,
        ],
        compiler_params=pltpu.CompilerParams(use_tc_tiling_on_sc=True),
    )(x2, y2)

    tc_sums = pl.pallas_call(
        _tc_body,
        grid=(_TC_GRID,),
        in_specs=[
            pl.BlockSpec((_TC_BLOCK, _COLS), lambda i: (i, 0)),
            pl.BlockSpec((_TC_BLOCK, _COLS), lambda i: (i, 0)),
        ],
        out_specs=pl.BlockSpec(memory_space=pltpu.SMEM),
        out_shape=jax.ShapeDtypeStruct((2,), jnp.float32),
        scratch_shapes=[pltpu.SMEM((2,), jnp.float32)],
    )(x2, y2)

    sum_d = tc_sums[0] + jnp.sum(sc_partials[:, :16])
    sum_y = tc_sums[1] + jnp.sum(sc_partials[:, 16:])
    return sum_d / (2.0 * sum_y)

# --- scband reference (transcript-rebuilt; emitter-appended) ---
"""Pipeline reference for scband-denoise-loss-57793079935530 (READ-ONLY COPY).

The authoritative reference and input builder live on the scoring server;
editing this copy changes nothing except your own understanding.
"""

import jax, jax.numpy as jnp
import numpy as np


def setup_inputs(seed: int = 0) -> dict:
    key = jax.random.key(seed)
    kx, ky = jax.random.split(key)
    x = jax.random.normal(kx, (4, 8192, 2048), dtype=jnp.float32)
    y = jax.random.normal(ky, (4, 8192, 2048), dtype=jnp.float32)
    return {"x": x, "y": y}


def reference(x, y):
    # DenoiseLoss(n=2, hard_mining=0, norm=True)
    n = 2.0
    loss = jnp.abs(x - y) ** n / n
    # hard_mining == 0 -> topk branch skipped
    loss = jnp.mean(loss)
    # norm=True: torch uses .item() on norm term (no grad through it)
    norm_term = jnp.mean(jnp.abs(y) ** n)
    loss = loss / norm_term
    return loss

if __name__ == "__main__":
    import jax
    _d = setup_inputs()
    print(jax.jit(kernel)(*tuple(_d.values())))

</pallas_src>

<mosaic_0001>
#map = affine_map<(d0, d1) -> (0, 0)>
module attributes {stable_mosaic.version = 14 : i64} {
  func.func @_sc_body(%arg0: i32, %arg1: i32, %arg2: memref<32768x2048xf32, #tpu.memory_space<hbm>>, %arg3: memref<32768x2048xf32, #tpu.memory_space<hbm>>, %arg4: memref<32x32xf32, #tpu.memory_space<hbm>>, %arg5: memref<8x2048xf32, #tpu.memory_space<vmem>>, %arg6: memref<8x2048xf32, #tpu.memory_space<vmem>>, %arg7: memref<8x2048xf32, #tpu.memory_space<vmem>>, %arg8: memref<8x2048xf32, #tpu.memory_space<vmem>>, %arg9: memref<32xf32, #tpu.memory_space<vmem>>, %arg10: memref<!tpu.dma_semaphore, #tpu.memory_space<semaphore_mem>>, %arg11: memref<!tpu.dma_semaphore, #tpu.memory_space<semaphore_mem>>) attributes {dimension_semantics = [#tpu.dimension_semantics<core_parallel>, #tpu.dimension_semantics<subcore_parallel>], iteration_bounds = array<i64: 2, 16>, scalar_prefetch = 0 : i64, scratch_operands = 7 : i64, tpu.core_type = #tpu.core_type<sc_vector_subcore>, window_params = [{transform_indices = #map}, {transform_indices = #map}, {transform_indices = #map}]} {
    %mul3A = arith.constant 2 : i32
    %mul3A_0 = arith.muli %arg1, %mul3A : i32
    %add3A = arith.addi %mul3A_0, %arg0 : i32
    %mul3A_1 = arith.constant 128 : i32
    %mul3A_2 = arith.muli %add3A, %mul3A_1 : i32
    %add3A_3 = arith.constant 28672 : i32
    %add3A_4 = arith.addi %add3A_3, %mul3A_2 : i32
    %add3A_5 = arith.constant 0 : i32
    %add3A_6 = arith.addi %add3A_4, %add3A_5 : i32
    %min3A = arith.constant 32760 : i32
    %min3A_7 = arith.minsi %add3A_6, %min3A : i32
    %dma_start3A = arith.constant 0 : i32
    %dma_start3A_8 = tpu.memref_slice %arg2[%min3A_7, %dma_start3A] : memref<32768x2048xf32, #tpu.memory_space<hbm>> -> memref<8x2048xf32, #tpu.memory_space<hbm>>
    %dma_start3A_9 = arith.constant 0 : i32
    %dma_start3A_10 = tpu.memref_slice %arg2[%min3A_7, %dma_start3A_9] : memref<32768x2048xf32, #tpu.memory_space<hbm>> -> memref<8x2048xf32, #tpu.memory_space<hbm>>
    tpu.enqueue_dma source(%dma_start3A_10 : memref<8x2048xf32, #tpu.memory_space<hbm>>) target(%arg5 : memref<8x2048xf32, #tpu.memory_space<vmem>>) target_semaphore(%arg10 : memref<!tpu.dma_semaphore, #tpu.memory_space<semaphore_mem>>)
    %dma_start3A_11 = arith.constant 0 : i32
    %dma_start3A_12 = tpu.memref_slice %arg3[%min3A_7, %dma_start3A_11] : memref<32768x2048xf32, #tpu.memory_space<hbm>> -> memref<8x2048xf32, #tpu.memory_space<hbm>>
    %dma_start3A_13 = arith.constant 0 : i32
    %dma_start3A_14 = tpu.memref_slice %arg3[%min3A_7, %dma_start3A_13] : memref<32768x2048xf32, #tpu.memory_space<hbm>> -> memref<8x2048xf32, #tpu.memory_space<hbm>>
    tpu.enqueue_dma source(%dma_start3A_14 : memref<8x2048xf32, #tpu.memory_space<hbm>>) target(%arg6 : memref<8x2048xf32, #tpu.memory_space<vmem>>) target_semaphore(%arg10 : memref<!tpu.dma_semaphore, #tpu.memory_space<semaphore_mem>>)
    %broadcast_in_dim3A = arith.constant 0.000000e+00 : f32
    %broadcast_in_dim3A_15 = vector.broadcast %broadcast_in_dim3A : f32 to vector<16xf32>
    %scan3A = arith.constant 0 : i32
    %scan3A_16 = arith.constant 8 : i32
    %scan3A_17 = arith.addi %scan3A, %scan3A_16 : i32
    %scan3A_18 = arith.constant 1 : i32
    %scan3A_19:2 = scf.for %scan3A_39 = %scan3A to %scan3A_17 step %scan3A_18 iter_args(%scan3A_40 = %broadcast_in_dim3A_15, %scan3A_41 = %broadcast_in_dim3A_15) -> (vector<16xf32>, vector<16xf32>)  : i32 {
      %mul3A_42 = arith.constant 2 : i32
      %mul3A_43 = arith.muli %mul3A_42, %scan3A_39 : i32
      %dma_wait3A_44 = arith.constant 0 : i32
      %dma_wait3A_45 = arith.constant 0 : i32
      %dma_wait3A_46 = tpu.memref_slice %arg2[%dma_wait3A_44, %dma_wait3A_45] : memref<32768x2048xf32, #tpu.memory_space<hbm>> -> memref<8x2048xf32, #tpu.memory_space<hbm>>
      %dma_wait3A_47 = arith.constant 0 : i32
      %dma_wait3A_48 = arith.constant 0 : i32
      %dma_wait3A_49 = tpu.memref_slice %arg2[%dma_wait3A_47, %dma_wait3A_48] : memref<32768x2048xf32, #tpu.memory_space<hbm>> -> memref<8x2048xf32, #tpu.memory_space<hbm>>
      tpu.wait_dma2 semaphore(%arg10 : memref<!tpu.dma_semaphore, #tpu.memory_space<semaphore_mem>>) src(%dma_wait3A_49 : memref<8x2048xf32, #tpu.memory_space<hbm>>) dst(%arg5 : memref<8x2048xf32, #tpu.memory_space<vmem>>)
      %dma_wait3A_50 = arith.constant 0 : i32
      %dma_wait3A_51 = arith.constant 0 : i32
      %dma_wait3A_52 = tpu.memref_slice %arg3[%dma_wait3A_50, %dma_wait3A_51] : memref<32768x2048xf32, #tpu.memory_space<hbm>> -> memref<8x2048xf32, #tpu.memory_space<hbm>>
      %dma_wait3A_53 = arith.constant 0 : i32
      %dma_wait3A_54 = arith.constant 0 : i32
      %dma_wait3A_55 = tpu.memref_slice %arg3[%dma_wait3A_53, %dma_wait3A_54] : memref<32768x2048xf32, #tpu.memory_space<hbm>> -> memref<8x2048xf32, #tpu.memory_space<hbm>>
      tpu.wait_dma2 semaphore(%arg10 : memref<!tpu.dma_semaphore, #tpu.memory_space<semaphore_mem>>) src(%dma_wait3A_55 : memref<8x2048xf32, #tpu.memory_space<hbm>>) dst(%arg6 : memref<8x2048xf32, #tpu.memory_space<vmem>>)
      %add3A_56 = arith.constant 1 : i32
      %add3A_57 = arith.addi %mul3A_43, %add3A_56 : i32
      %mul3A_58 = arith.constant 8 : i32
      %mul3A_59 = arith.muli %add3A_57, %mul3A_58 : i32
      %add3A_60 = arith.addi %add3A_4, %mul3A_59 : i32
      %min3A_61 = arith.constant 32760 : i32
      %min3A_62 = arith.minsi %add3A_60, %min3A_61 : i32
      %dma_start3A_63 = arith.constant 0 : i32
      %dma_start3A_64 = tpu.memref_slice %arg2[%min3A_62, %dma_start3A_63] : memref<32768x2048xf32, #tpu.memory_space<hbm>> -> memref<8x2048xf32, #tpu.memory_space<hbm>>
      %dma_start3A_65 = arith.constant 0 : i32
      %dma_start3A_66 = tpu.memref_slice %arg2[%min3A_62, %dma_start3A_65] : memref<32768x2048xf32, #tpu.memory_space<hbm>> -> memref<8x2048xf32, #tpu.memory_space<hbm>>
      tpu.enqueue_dma source(%dma_start3A_66 : memref<8x2048xf32, #tpu.memory_space<hbm>>) target(%arg7 : memref<8x2048xf32, #tpu.memory_space<vmem>>) target_semaphore(%arg11 : memref<!tpu.dma_semaphore, #tpu.memory_space<semaphore_mem>>)
      %dma_start3A_67 = arith.constant 0 : i32
      %dma_start3A_68 = tpu.memref_slice %arg3[%min3A_62, %dma_start3A_67] : memref<32768x2048xf32, #tpu.memory_space<hbm>> -> memref<8x2048xf32, #tpu.memory_space<hbm>>
      %dma_start3A_69 = arith.constant 0 : i32
      %dma_start3A_70 = tpu.memref_slice %arg3[%min3A_62, %dma_start3A_69] : memref<32768x2048xf32, #tpu.memory_space<hbm>> -> memref<8x2048xf32, #tpu.memory_space<hbm>>
      tpu.enqueue_dma source(%dma_start3A_70 : memref<8x2048xf32, #tpu.memory_space<hbm>>) target(%arg8 : memref<8x2048xf32, #tpu.memory_space<vmem>>) target_semaphore(%arg11 : memref<!tpu.dma_semaphore, #tpu.memory_space<semaphore_mem>>)
      %scan3A_71 = arith.constant 0 : i32
      %scan3A_72 = arith.constant 32 : i32
      %scan3A_73 = arith.addi %scan3A_71, %scan3A_72 : i32
      %scan3A_74 = arith.constant 1 : i32
      %scan3A_75:2 = scf.for %scan3A_110 = %scan3A_71 to %scan3A_73 step %scan3A_74 iter_args(%scan3A_111 = %scan3A_40, %scan3A_112 = %scan3A_41) -> (vector<16xf32>, vector<16xf32>)  : i32 {
        %mul3A_113 = arith.constant 4 : i32
        %mul3A_114 = arith.muli %scan3A_110, %mul3A_113 : i32
        %add3A_115 = arith.constant 0 : i32
        %add3A_116 = arith.addi %mul3A_114, %add3A_115 : i32
        %mul3A_117 = arith.constant 16 : i32
        %mul3A_118 = arith.muli %add3A_116, %mul3A_117 : i32
        %get3A = arith.constant 0 : i32
        %get3A_119 = arith.index_cast %get3A : i32 to index
        %get3A_120 = arith.index_cast %mul3A_118 : i32 to index
        %get3A_121 = tpu.vector_load %arg5[%get3A_119, %get3A_120] {strides = array<i32>} : memref<8x2048xf32, #tpu.memory_space<vmem>>, vector<1x16xf32>,
        %get3A_122 = vector.shape_cast %get3A_121 : vector<1x16xf32> to vector<16xf32>
        %get3A_123 = arith.constant 0 : i32
        %get3A_124 = arith.index_cast %get3A_123 : i32 to index
        %get3A_125 = arith.index_cast %mul3A_118 : i32 to index
        %get3A_126 = tpu.vector_load %arg6[%get3A_124, %get3A_125] {strides = array<i32>} : memref<8x2048xf32, #tpu.memory_space<vmem>>, vector<1x16xf32>,
        %get3A_127 = vector.shape_cast %get3A_126 : vector<1x16xf32> to vector<16xf32>
        %sub3A = arith.subf %get3A_122, %get3A_127 : vector<16xf32>
        %mul3A_128 = arith.mulf %sub3A, %sub3A : vector<16xf32>
        %add3A_129 = arith.addf %scan3A_111, %mul3A_128 : vector<16xf32>
        %mul3A_130 = arith.mulf %get3A_127, %get3A_127 : vector<16xf32>
        %add3A_131 = arith.addf %scan3A_112, %mul3A_130 : vector<16xf32>
        %get3A_132 = arith.constant 1 : i32
        %get3A_133 = arith.index_cast %get3A_132 : i32 to index
        %get3A_134 = arith.index_cast %mul3A_118 : i32 to index
        %get3A_135 = tpu.vector_load %arg5[%get3A_133, %get3A_134] {strides = array<i32>} : memref<8x2048xf32, #tpu.memory_space<vmem>>, vector<1x16xf32>,
        %get3A_136 = vector.shape_cast %get3A_135 : vector<1x16xf32> to vector<16xf32>
        %get3A_137 = arith.constant 1 : i32
        %get3A_138 = arith.index_cast %get3A_137 : i32 to index
        %get3A_139 = arith.index_cast %mul3A_118 : i32 to index
        %get3A_140 = tpu.vector_load %arg6[%get3A_138, %get3A_139] {strides = array<i32>} : memref<8x2048xf32, #tpu.memory_space<vmem>>, vector<1x16xf32>,
        %get3A_141 = vector.shape_cast %get3A_140 : vector<1x16xf32> to vector<16xf32>
        %sub3A_142 = arith.subf %get3A_136, %get3A_141 : vector<16xf32>
        %mul3A_143 = arith.mulf %sub3A_142, %sub3A_142 : vector<16xf32>
        %add3A_144 = arith.addf %add3A_129, %mul3A_143 : vector<16xf32>
        %mul3A_145 = arith.mulf %get3A_141, %get3A_141 : vector<16xf32>
        %add3A_146 = arith.addf %add3A_131, %mul3A_145 : vector<16xf32>
        %get3A_147 = arith.constant 2 : i32
        %get3A_148 = arith.index_cast %get3A_147 : i32 to index
        %get3A_149 = arith.index_cast %mul3A_118 : i32 to index
        %get3A_150 = tpu.vector_load %arg5[%get3A_148, %get3A_149] {strides = array<i32>} : memref<8x2048xf32, #tpu.memory_space<vmem>>, vector<1x16xf32>,
        %get3A_151 = vector.shape_cast %get3A_150 : vector<1x16xf32> to vector<16xf32>
        %get3A_152 = arith.constant 2 : i32
        %get3A_153 = arith.index_cast %get3A_152 : i32 to index
        %get3A_154 = arith.index_cast %mul3A_118 : i32 to index
        %get3A_155 = tpu.vector_load %arg6[%get3A_153, %get3A_154] {strides = array<i32>} : memref<8x2048xf32, #tpu.memory_space<vmem>>, vector<1x16xf32>,
        %get3A_156 = vector.shape_cast %get3A_155 : vector<1x16xf32> to vector<16xf32>
        %sub3A_157 = arith.subf %get3A_151, %get3A_156 : vector<16xf32>
        %mul3A_158 = arith.mulf %sub3A_157, %sub3A_157 : vector<16xf32>
        %add3A_159 = arith.addf %add3A_144, %mul3A_158 : vector<16xf32>
        %mul3A_160 = arith.mulf %get3A_156, %get3A_156 : vector<16xf32>
        %add3A_161 = arith.addf %add3A_146, %mul3A_160 : vector<16xf32>
        %get3A_162 = arith.constant 3 : i32
        %get3A_163 = arith.index_cast %get3A_162 : i32 to index
        %get3A_164 = arith.index_cast %mul3A_118 : i32 to index
        %get3A_165 = tpu.vector_load %arg5[%get3A_163, %get3A_164] {strides = array<i32>} : memref<8x2048xf32, #tpu.memory_space<vmem>>, vector<1x16xf32>,
        %get3A_166 = vector.shape_cast %get3A_165 : vector<1x16xf32> to vector<16xf32>
        %get3A_167 = arith.constant 3 : i32
        %get3A_168 = arith.index_cast %get3A_167 : i32 to index
        %get3A_169 = arith.index_cast %mul3A_118 : i32 to index
        %get3A_170 = tpu.vector_load %arg6[%get3A_168, %get3A_169] {strides = array<i32>} : memref<8x2048xf32, #tpu.memory_space<vmem>>, vector<1x16xf32>,
        %get3A_171 = vector.shape_cast %get3A_170 : vector<1x16xf32> to vector<16xf32>
        %sub3A_172 = arith.subf %get3A_166, %get3A_171 : vector<16xf32>
        %mul3A_173 = arith.mulf %sub3A_172, %sub3A_172 : vector<16xf32>
        %add3A_174 = arith.addf %add3A_159, %mul3A_173 : vector<16xf32>
        %mul3A_175 = arith.mulf %get3A_171, %get3A_171 : vector<16xf32>
        %add3A_176 = arith.addf %add3A_161, %mul3A_175 : vector<16xf32>
        %get3A_177 = arith.constant 4 : i32
        %get3A_178 = arith.index_cast %get3A_177 : i32 to index
        %get3A_179 = arith.index_cast %mul3A_118 : i32 to index
        %get3A_180 = tpu.vector_load %arg5[%get3A_178, %get3A_179] {strides = array<i32>} : memref<8x2048xf32, #tpu.memory_space<vmem>>, vector<1x16xf32>,
        %get3A_181 = vector.shape_cast %get3A_180 : vector<1x16xf32> to vector<16xf32>
        %get3A_182 = arith.constant 4 : i32
        %get3A_183 = arith.index_cast %get3A_182 : i32 to index
        %get3A_184 = arith.index_cast %mul3A_118 : i32 to index
        %get3A_185 = tpu.vector_load %arg6[%get3A_183, %get3A_184] {strides = array<i32>} : memref<8x2048xf32, #tpu.memory_space<vmem>>, vector<1x16xf32>,
        %get3A_186 = vector.shape_cast %get3A_185 : vector<1x16xf32> to vector<16xf32>
        %sub3A_187 = arith.subf %get3A_181, %get3A_186 : vector<16xf32>
        %mul3A_188 = arith.mulf %sub3A_187, %sub3A_187 : vector<16xf32>
        %add3A_189 = arith.addf %add3A_174, %mul3A_188 : vector<16xf32>
        %mul3A_190 = arith.mulf %get3A_186, %get3A_186 : vector<16xf32>
        %add3A_191 = arith.addf %add3A_176, %mul3A_190 : vector<16xf32>
        %get3A_192 = arith.constant 5 : i32
        %get3A_193 = arith.index_cast %get3A_192 : i32 to index
        %get3A_194 = arith.index_cast %mul3A_118 : i32 to index
        %get3A_195 = tpu.vector_load %arg5[%get3A_193, %get3A_194] {strides = array<i32>} : memref<8x2048xf32, #tpu.memory_space<vmem>>, vector<1x16xf32>,
        %get3A_196 = vector.shape_cast %get3A_195 : vector<1x16xf32> to vector<16xf32>
        %get3A_197 = arith.constant 5 : i32
        %get3A_198 = arith.index_cast %get3A_197 : i32 to index
        %get3A_199 = arith.index_cast %mul3A_118 : i32 to index
        %get3A_200 = tpu.vector_load %arg6[%get3A_198, %get3A_199] {strides = array<i32>} : memref<8x2048xf32, #tpu.memory_space<vmem>>, vector<1x16xf32>,
        %get3A_201 = vector.shape_cast %get3A_200 : vector<1x16xf32> to vector<16xf32>
        %sub3A_202 = arith.subf %get3A_196, %get3A_201 : vector<16xf32>
        %mul3A_203 = arith.mulf %sub3A_202, %sub3A_202 : vector<16xf32>
        %add3A_204 = arith.addf %add3A_189, %mul3A_203 : vector<16xf32>
        %mul3A_205 = arith.mulf %get3A_201, %get3A_201 : vector<16xf32>
        %add3A_206 = arith.addf %add3A_191, %mul3A_205 : vector<16xf32>
        %get3A_207 = arith.constant 6 : i32
        %get3A_208 = arith.index_cast %get3A_207 : i32 to index
        %get3A_209 = arith.index_cast %mul3A_118 : i32 to index
        %get3A_210 = tpu.vector_load %arg5[%get3A_208, %get3A_209] {strides = array<i32>} : memref<8x2048xf32, #tpu.memory_space<vmem>>, vector<1x16xf32>,
        %get3A_211 = vector.shape_cast %get3A_210 : vector<1x16xf32> to vector<16xf32>
        %get3A_212 = arith.constant 6 : i32
        %get3A_213 = arith.index_cast %get3A_212 : i32 to index
        %get3A_214 = arith.index_cast %mul3A_118 : i32 to index
        %get3A_215 = tpu.vector_load %arg6[%get3A_213, %get3A_214] {strides = array<i32>} : memref<8x2048xf32, #tpu.memory_space<vmem>>, vector<1x16xf32>,
        %get3A_216 = vector.shape_cast %get3A_215 : vector<1x16xf32> to vector<16xf32>
        %sub3A_217 = arith.subf %get3A_211, %get3A_216 : vector<16xf32>
        %mul3A_218 = arith.mulf %sub3A_217, %sub3A_217 : vector<16xf32>
        %add3A_219 = arith.addf %add3A_204, %mul3A_218 : vector<16xf32>
        %mul3A_220 = arith.mulf %get3A_216, %get3A_216 : vector<16xf32>
        %add3A_221 = arith.addf %add3A_206, %mul3A_220 : vector<16xf32>
        %get3A_222 = arith.constant 7 : i32
        %get3A_223 = arith.index_cast %get3A_222 : i32 to index
        %get3A_224 = arith.index_cast %mul3A_118 : i32 to index
        %get3A_225 = tpu.vector_load %arg5[%get3A_223, %get3A_224] {strides = array<i32>} : memref<8x2048xf32, #tpu.memory_space<vmem>>, vector<1x16xf32>,
        %get3A_226 = vector.shape_cast %get3A_225 : vector<1x16xf32> to vector<16xf32>
        %get3A_227 = arith.constant 7 : i32
        %get3A_228 = arith.index_cast %get3A_227 : i32 to index
        %get3A_229 = arith.index_cast %mul3A_118 : i32 to index
        %get3A_230 = tpu.vector_load %arg6[%get3A_228, %get3A_229] {strides = array<i32>} : memref<8x2048xf32, #tpu.memory_space<vmem>>, vector<1x16xf32>,
        %get3A_231 = vector.shape_cast %get3A_230 : vector<1x16xf32> to vector<16xf32>
        %sub3A_232 = arith.subf %get3A_226, %get3A_231 : vector<16xf32>
        %mul3A_233 = arith.mulf %sub3A_232, %sub3A_232 : vector<16xf32>
        %add3A_234 = arith.addf %add3A_219, %mul3A_233 : vector<16xf32>
        %mul3A_235 = arith.mulf %get3A_231, %get3A_231 : vector<16xf32>
        %add3A_236 = arith.addf %add3A_221, %mul3A_235 : vector<16xf32>
        %mul3A_237 = arith.constant 4 : i32
        %mul3A_238 = arith.muli %scan3A_110, %mul3A_237 : i32
        %add3A_239 = arith.constant 1 : i32
        %add3A_240 = arith.addi %mul3A_238, %add3A_239 : i32
        %mul3A_241 = arith.constant 16 : i32
        %mul3A_242 = arith.muli %add3A_240, %mul3A_241 : i32
        %get3A_243 = arith.constant 0 : i32
        %get3A_244 = arith.index_cast %get3A_243 : i32 to index
        %get3A_245 = arith.index_cast %mul3A_242 : i32 to index
        %get3A_246 = tpu.vector_load %arg5[%get3A_244, %get3A_245] {strides = array<i32>} : memref<8x2048xf32, #tpu.memory_space<vmem>>, vector<1x16xf32>,
        %get3A_247 = vector.shape_cast %get3A_246 : vector<1x16xf32> to vector<16xf32>
        %get3A_248 = arith.constant 0 : i32
        %get3A_249 = arith.index_cast %get3A_248 : i32 to index
        %get3A_250 = arith.index_cast %mul3A_242 : i32 to index
        %get3A_251 = tpu.vector_load %arg6[%get3A_249, %get3A_250] {strides = array<i32>} : memref<8x2048xf32, #tpu.memory_space<vmem>>, vector<1x16xf32>,
        %get3A_252 = vector.shape_cast %get3A_251 : vector<1x16xf32> to vector<16xf32>
        %sub3A_253 = arith.subf %get3A_247, %get3A_252 : vector<16xf32>
        %mul3A_254 = arith.mulf %sub3A_253, %sub3A_253 : vector<16xf32>
        %add3A_255 = arith.addf %add3A_234, %mul3A_254 : vector<16xf32>
        %mul3A_256 = arith.mulf %get3A_252, %get3A_252 : vector<16xf32>
        %add3A_257 = arith.addf %add3A_236, %mul3A_256 : vector<16xf32>
        %get3A_258 = arith.constant 1 : i32
        %get3A_259 = arith.index_cast %get3A_258 : i32 to index
        %get3A_260 = arith.index_cast %mul3A_242 : i32 to index
        %get3A_261 = tpu.vector_load %arg5[%get3A_259, %get3A_260] {strides = array<i32>} : memref<8x2048xf32, #tpu.memory_space<vmem>>, vector<1x16xf32>,
        %get3A_262 = vector.shape_cast %get3A_261 : vector<1x16xf32> to vector<16xf32>
        %get3A_263 = arith.constant 1 : i32
        %get3A_264 = arith.index_cast %get3A_263 : i32 to index
        %get3A_265 = arith.index_cast %mul3A_242 : i32 to index
        %get3A_266 = tpu.vector_load %arg6[%get3A_264, %get3A_265] {strides = array<i32>} : memref<8x2048xf32, #tpu.memory_space<vmem>>, vector<1x16xf32>,
        %get3A_267 = vector.shape_cast %get3A_266 : vector<1x16xf32> to vector<16xf32>
        %sub3A_268 = arith.subf %get3A_262, %get3A_267 : vector<16xf32>
        %mul3A_269 = arith.mulf %sub3A_268, %sub3A_268 : vector<16xf32>
        %add3A_270 = arith.addf %add3A_255, %mul3A_269 : vector<16xf32>
        %mul3A_271 = arith.mulf %get3A_267, %get3A_267 : vector<16xf32>
        %add3A_272 = arith.addf %add3A_257, %mul3A_271 : vector<16xf32>
        %get3A_273 = arith.constant 2 : i32
        %get3A_274 = arith.index_cast %get3A_273 : i32 to index
        %get3A_275 = arith.index_cast %mul3A_242 : i32 to index
        %get3A_276 = tpu.vector_load %arg5[%get3A_274, %get3A_275] {strides = array<i32>} : memref<8x2048xf32, #tpu.memory_space<vmem>>, vector<1x16xf32>,
        %get3A_277 = vector.shape_cast %get3A_276 : vector<1x16xf32> to vector<16xf32>
        %get3A_278 = arith.constant 2 : i32
        %get3A_279 = arith.index_cast %get3A_278 : i32 to index
        %get3A_280 = arith.index_cast %mul3A_242 : i32 to index
        %get3A_281 = tpu.vector_load %arg6[%get3A_279, %get3A_280] {strides = array<i32>} : memref<8x2048xf32, #tpu.memory_space<vmem>>, vector<1x16xf32>,
        %get3A_282 = vector.shape_cast %get3A_281 : vector<1x16xf32> to vector<16xf32>
        %sub3A_283 = arith.subf %get3A_277, %get3A_282 : vector<16xf32>
        %mul3A_284 = arith.mulf %sub3A_283, %sub3A_283 : vector<16xf32>
        %add3A_285 = arith.addf %add3A_270, %mul3A_284 : vector<16xf32>
        %mul3A_286 = arith.mulf %get3A_282, %get3A_282 : vector<16xf32>
        %add3A_287 = arith.addf %add3A_272, %mul3A_286 : vector<16xf32>
        %get3A_288 = arith.constant 3 : i32
        %get3A_289 = arith.index_cast %get3A_288 : i32 to index
        %get3A_290 = arith.index_cast %mul3A_242 : i32 to index
        %get3A_291 = tpu.vector_load %arg5[%get3A_289, %get3A_290] {strides = array<i32>} : memref<8x2048xf32, #tpu.memory_space<vmem>>, vector<1x16xf32>,
        %get3A_292 = vector.shape_cast %get3A_291 : vector<1x16xf32> to vector<16xf32>
        %get3A_293 = arith.constant 3 : i32
        %get3A_294 = arith.index_cast %get3A_293 : i32 to index
        %get3A_295 = arith.index_cast %mul3A_242 : i32 to index
        %get3A_296 = tpu.vector_load %arg6[%get3A_294, %get3A_295] {strides = array<i32>} : memref<8x2048xf32, #tpu.memory_space<vmem>>, vector<1x16xf32>,
        %get3A_297 = vector.shape_cast %get3A_296 : vector<1x16xf32> to vector<16xf32>
        %sub3A_298 = arith.subf %get3A_292, %get3A_297 : vector<16xf32>
        %mul3A_299 = arith.mulf %sub3A_298, %sub3A_298 : vector<16xf32>
        %add3A_300 = arith.addf %add3A_285, %mul3A_299 : vector<16xf32>
        %mul3A_301 = arith.mulf %get3A_297, %get3A_297 : vector<16xf32>
        %add3A_302 = arith.addf %add3A_287, %mul3A_301 : vector<16xf32>
        %get3A_303 = arith.constant 4 : i32
        %get3A_304 = arith.index_cast %get3A_303 : i32 to index
        %get3A_305 = arith.index_cast %mul3A_242 : i32 to index
        %get3A_306 = tpu.vector_load %arg5[%get3A_304, %get3A_305] {strides = array<i32>} : memref<8x2048xf32, #tpu.memory_space<vmem>>, vector<1x16xf32>,
        %get3A_307 = vector.shape_cast %get3A_306 : vector<1x16xf32> to vector<16xf32>
        %get3A_308 = arith.constant 4 : i32
        %get3A_309 = arith.index_cast %get3A_308 : i32 to index
        %get3A_310 = arith.index_cast %mul3A_242 : i32 to index
        %get3A_311 = tpu.vector_load %arg6[%get3A_309, %get3A_310] {strides = array<i32>} : memref<8x2048xf32, #tpu.memory_space<vmem>>, vector<1x16xf32>,
        %get3A_312 = vector.shape_cast %get3A_311 : vector<1x16xf32> to vector<16xf32>
        %sub3A_313 = arith.subf %get3A_307, %get3A_312 : vector<16xf32>
        %mul3A_314 = arith.mulf %sub3A_313, %sub3A_313 : vector<16xf32>
        %add3A_315 = arith.addf %add3A_300, %mul3A_314 : vector<16xf32>
        %mul3A_316 = arith.mulf %get3A_312, %get3A_312 : vector<16xf32>
        %add3A_317 = arith.addf %add3A_302, %mul3A_316 : vector<16xf32>
        %get3A_318 = arith.constant 5 : i32
        %get3A_319 = arith.index_cast %get3A_318 : i32 to index
        %get3A_320 = arith.index_cast %mul3A_242 : i32 to index
        %get3A_321 = tpu.vector_load %arg5[%get3A_319, %get3A_320] {strides = array<i32>} : memref<8x2048xf32, #tpu.memory_space<vmem>>, vector<1x16xf32>,
        %get3A_322 = vector.shape_cast %get3A_321 : vector<1x16xf32> to vector<16xf32>
        %get3A_323 = arith.constant 5 : i32
        %get3A_324 = arith.index_cast %get3A_323 : i32 to index
        %get3A_325 = arith.index_cast %mul3A_242 : i32 to index
        %get3A_326 = tpu.vector_load %arg6[%get3A_324, %get3A_325] {strides = array<i32>} : memref<8x2048xf32, #tpu.memory_space<vmem>>, vector<1x16xf32>,
        %get3A_327 = vector.shape_cast %get3A_326 : vector<1x16xf32> to vector<16xf32>
        %sub3A_328 = arith.subf %get3A_322, %get3A_327 : vector<16xf32>
        %mul3A_329 = arith.mulf %sub3A_328, %sub3A_328 : vector<16xf32>
        %add3A_330 = arith.addf %add3A_315, %mul3A_329 : vector<16xf32>
        %mul3A_331 = arith.mulf %get3A_327, %get3A_327 : vector<16xf32>
        %add3A_332 = arith.addf %add3A_317, %mul3A_331 : vector<16xf32>
        %get3A_333 = arith.constant 6 : i32
        %get3A_334 = arith.index_cast %get3A_333 : i32 to index
        %get3A_335 = arith.index_cast %mul3A_242 : i32 to index
        %get3A_336 = tpu.vector_load %arg5[%get3A_334, %get3A_335] {strides = array<i32>} : memref<8x2048xf32, #tpu.memory_space<vmem>>, vector<1x16xf32>,
        %get3A_337 = vector.shape_cast %get3A_336 : vector<1x16xf32> to vector<16xf32>
        %get3A_338 = arith.constant 6 : i32
        %get3A_339 = arith.index_cast %get3A_338 : i32 to index
        %get3A_340 = arith.index_cast %mul3A_242 : i32 to index
        %get3A_341 = tpu.vector_load %arg6[%get3A_339, %get3A_340] {strides = array<i32>} : memref<8x2048xf32, #tpu.memory_space<vmem>>, vector<1x16xf32>,
        %get3A_342 = vector.shape_cast %get3A_341 : vector<1x16xf32> to vector<16xf32>
        %sub3A_343 = arith.subf %get3A_337, %get3A_342 : vector<16xf32>
        %mul3A_344 = arith.mulf %sub3A_343, %sub3A_343 : vector<16xf32>
        %add3A_345 = arith.addf %add3A_330, %mul3A_344 : vector<16xf32>
        %mul3A_346 = arith.mulf %get3A_342, %get3A_342 : vector<16xf32>
        %add3A_347 = arith.addf %add3A_332, %mul3A_346 : vector<16xf32>
        %get3A_348 = arith.constant 7 : i32
        %get3A_349 = arith.index_cast %get3A_348 : i32 to index
        %get3A_350 = arith.index_cast %mul3A_242 : i32 to index
        %get3A_351 = tpu.vector_load %arg5[%get3A_349, %get3A_350] {strides = array<i32>} : memref<8x2048xf32, #tpu.memory_space<vmem>>, vector<1x16xf32>,
        %get3A_352 = vector.shape_cast %get3A_351 : vector<1x16xf32> to vector<16xf32>
        %get3A_353 = arith.constant 7 : i32
        %get3A_354 = arith.index_cast %get3A_353 : i32 to index
        %get3A_355 = arith.index_cast %mul3A_242 : i32 to index
        %get3A_356 = tpu.vector_load %arg6[%get3A_354, %get3A_355] {strides = array<i32>} : memref<8x2048xf32, #tpu.memory_space<vmem>>, vector<1x16xf32>,
        %get3A_357 = vector.shape_cast %get3A_356 : vector<1x16xf32> to vector<16xf32>
        %sub3A_358 = arith.subf %get3A_352, %get3A_357 : vector<16xf32>
        %mul3A_359 = arith.mulf %sub3A_358, %sub3A_358 : vector<16xf32>
        %add3A_360 = arith.addf %add3A_345, %mul3A_359 : vector<16xf32>
        %mul3A_361 = arith.mulf %get3A_357, %get3A_357 : vector<16xf32>
        %add3A_362 = arith.addf %add3A_347, %mul3A_361 : vector<16xf32>
        %mul3A_363 = arith.constant 4 : i32
        %mul3A_364 = arith.muli %scan3A_110, %mul3A_363 : i32
        %add3A_365 = arith.constant 2 : i32
        %add3A_366 = arith.addi %mul3A_364, %add3A_365 : i32
        %mul3A_367 = arith.constant 16 : i32
        %mul3A_368 = arith.muli %add3A_366, %mul3A_367 : i32
        %get3A_369 = arith.constant 0 : i32
        %get3A_370 = arith.index_cast %get3A_369 : i32 to index
        %get3A_371 = arith.index_cast %mul3A_368 : i32 to index
        %get3A_372 = tpu.vector_load %arg5[%get3A_370, %get3A_371] {strides = array<i32>} : memref<8x2048xf32, #tpu.memory_space<vmem>>, vector<1x16xf32>,
        %get3A_373 = vector.shape_cast %get3A_372 : vector<1x16xf32> to vector<16xf32>
        %get3A_374 = arith.constant 0 : i32
        %get3A_375 = arith.index_cast %get3A_374 : i32 to index
        %get3A_376 = arith.index_cast %mul3A_368 : i32 to index
        %get3A_377 = tpu.vector_load %arg6[%get3A_375, %get3A_376] {strides = array<i32>} : memref<8x2048xf32, #tpu.memory_space<vmem>>, vector<1x16xf32>,
        %get3A_378 = vector.shape_cast %get3A_377 : vector<1x16xf32> to vector<16xf32>
        %sub3A_379 = arith.subf %get3A_373, %get3A_378 : vector<16xf32>
        %mul3A_380 = arith.mulf %sub3A_379, %sub3A_379 : vector<16xf32>
        %add3A_381 = arith.addf %add3A_360, %mul3A_380 : vector<16xf32>
        %mul3A_382 = arith.mulf %get3A_378, %get3A_378 : vector<16xf32>
        %add3A_383 = arith.addf %add3A_362, %mul3A_382 : vector<16xf32>
        %get3A_384 = arith.constant 1 : i32
        %get3A_385 = arith.index_cast %get3A_384 : i32 to index
        %get3A_386 = arith.index_cast %mul3A_368 : i32 to index
        %get3A_387 = tpu.vector_load %arg5[%get3A_385, %get3A_386] {strides = array<i32>} : memref<8x2048xf32, #tpu.memory_space<vmem>>, vector<1x16xf32>,
        %get3A_388 = vector.shape_cast %get3A_387 : vector<1x16xf32> to vector<16xf32>
        %get3A_389 = arith.constant 1 : i32
        %get3A_390 = arith.index_cast %get3A_389 : i32 to index
        %get3A_391 = arith.index_cast %mul3A_368 : i32 to index
        %get3A_392 = tpu.vector_load %arg6[%get3A_390, %get3A_391] {strides = array<i32>} : memref<8x2048xf32, #tpu.memory_space<vmem>>, vector<1x16xf32>,
        %get3A_393 = vector.shape_cast %get3A_392 : vector<1x16xf32> to vector<16xf32>
        %sub3A_394 = arith.subf %get3A_388, %get3A_393 : vector<16xf32>
        %mul3A_395 = arith.mulf %sub3A_394, %sub3A_394 : vector<16xf32>
        %add3A_396 = arith.addf %add3A_381, %mul3A_395 : vector<16xf32>
        %mul3A_397 = arith.mulf %get3A_393, %get3A_393 : vector<16xf32>
        %add3A_398 = arith.addf %add3A_383, %mul3A_397 : vector<16xf32>
        %get3A_399 = arith.constant 2 : i32
        %get3A_400 = arith.index_cast %get3A_399 : i32 to index
        %get3A_401 = arith.index_cast %mul3A_368 : i32 to index
        %get3A_402 = tpu.vector_load %arg5[%get3A_400, %get3A_401] {strides = array<i32>} : memref<8x2048xf32, #tpu.memory_space<vmem>>, vector<1x16xf32>,
        %get3A_403 = vector.shape_cast %get3A_402 : vector<1x16xf32> to vector<16xf32>
        %get3A_404 = arith.constant 2 : i32
        %get3A_405 = arith.index_cast %get3A_404 : i32 to index
        %get3A_406 = arith.index_cast %mul3A_368 : i32 to index
        %get3A_407 = tpu.vector_load %arg6[%get3A_405, %get3A_406] {strides = array<i32>} : memref<8x2048xf32, #tpu.memory_space<vmem>>, vector<1x16xf32>,
        %get3A_408 = vector.shape_cast %get3A_407 : vector<1x16xf32> to vector<16xf32>
        %sub3A_409 = arith.subf %get3A_403, %get3A_408 : vector<16xf32>
        %mul3A_410 = arith.mulf %sub3A_409, %sub3A_409 : vector<16xf32>
        %add3A_411 = arith.addf %add3A_396, %mul3A_410 : vector<16xf32>
        %mul3A_412 = arith.mulf %get3A_408, %get3A_408 : vector<16xf32>
        %add3A_413 = arith.addf %add3A_398, %mul3A_412 : vector<16xf32>
        %get3A_414 = arith.constant 3 : i32
        %get3A_415 = arith.index_cast %get3A_414 : i32 to index
        %get3A_416 = arith.index_cast %mul3A_368 : i32 to index
        %get3A_417 = tpu.vector_load %arg5[%get3A_415, %get3A_416] {strides = array<i32>} : memref<8x2048xf32, #tpu.memory_space<vmem>>, vector<1x16xf32>,
        %get3A_418 = vector.shape_cast %get3A_417 : vector<1x16xf32> to vector<16xf32>
        %get3A_419 = arith.constant 3 : i32
        %get3A_420 = arith.index_cast %get3A_419 : i32 to index
        %get3A_421 = arith.index_cast %mul3A_368 : i32 to index
        %get3A_422 = tpu.vector_load %arg6[%get3A_420, %get3A_421] {strides = array<i32>} : memref<8x2048xf32, #tpu.memory_space<vmem>>, vector<1x16xf32>,
        %get3A_423 = vector.shape_cast %get3A_422 : vector<1x16xf32> to vector<16xf32>
        %sub3A_424 = arith.subf %get3A_418, %get3A_423 : vector<16xf32>
        %mul3A_425 = arith.mulf %sub3A_424, %sub3A_424 : vector<16xf32>
        %add3A_426 = arith.addf %add3A_411, %mul3A_425 : vector<16xf32>
        %mul3A_427 = arith.mulf %get3A_423, %get3A_423 : vector<16xf32>
        %add3A_428 = arith.addf %add3A_413, %mul3A_427 : vector<16xf32>
        %get3A_429 = arith.constant 4 : i32
        %get3A_430 = arith.index_cast %get3A_429 : i32 to index
        %get3A_431 = arith.index_cast %mul3A_368 : i32 to index
        %get3A_432 = tpu.vector_load %arg5[%get3A_430, %get3A_431] {strides = array<i32>} : memref<8x2048xf32, #tpu.memory_space<vmem>>, vector<1x16xf32>,
        %get3A_433 = vector.shape_cast %get3A_432 : vector<1x16xf32> to vector<16xf32>
        %get3A_434 = arith.constant 4 : i32
        %get3A_435 = arith.index_cast %get3A_434 : i32 to index
        %get3A_436 = arith.index_cast %mul3A_368 : i32 to index
        %get3A_437 = tpu.vector_load %arg6[%get3A_435, %get3A_436] {strides = array<i32>} : memref<8x2048xf32, #tpu.memory_space<vmem>>, vector<1x16xf32>,
        %get3A_438 = vector.shape_cast %get3A_437 : vector<1x16xf32> to vector<16xf32>
        %sub3A_439 = arith.subf %get3A_433, %get3A_438 : vector<16xf32>
        %mul3A_440 = arith.mulf %sub3A_439, %sub3A_439 : vector<16xf32>
        %add3A_441 = arith.addf %add3A_426, %mul3A_440 : vector<16xf32>
        %mul3A_442 = arith.mulf %get3A_438, %get3A_438 : vector<16xf32>
        %add3A_443 = arith.addf %add3A_428, %mul3A_442 : vector<16xf32>
        %get3A_444 = arith.constant 5 : i32
        %get3A_445 = arith.index_cast %get3A_444 : i32 to index
        %get3A_446 = arith.index_cast %mul3A_368 : i32 to index
        %get3A_447 = tpu.vector_load %arg5[%get3A_445, %get3A_446] {strides = array<i32>} : memref<8x2048xf32, #tpu.memory_space<vmem>>, vector<1x16xf32>,
        %get3A_448 = vector.shape_cast %get3A_447 : vector<1x16xf32> to vector<16xf32>
        %get3A_449 = arith.constant 5 : i32
        %get3A_450 = arith.index_cast %get3A_449 : i32 to index
        %get3A_451 = arith.index_cast %mul3A_368 : i32 to index
        %get3A_452 = tpu.vector_load %arg6[%get3A_450, %get3A_451] {strides = array<i32>} : memref<8x2048xf32, #tpu.memory_space<vmem>>, vector<1x16xf32>,
        %get3A_453 = vector.shape_cast %get3A_452 : vector<1x16xf32> to vector<16xf32>
        %sub3A_454 = arith.subf %get3A_448, %get3A_453 : vector<16xf32>
        %mul3A_455 = arith.mulf %sub3A_454, %sub3A_454 : vector<16xf32>
        %add3A_456 = arith.addf %add3A_441, %mul3A_455 : vector<16xf32>
        %mul3A_457 = arith.mulf %get3A_453, %get3A_453 : vector<16xf32>
        %add3A_458 = arith.addf %add3A_443, %mul3A_457 : vector<16xf32>
        %get3A_459 = arith.constant 6 : i32
        %get3A_460 = arith.index_cast %get3A_459 : i32 to index
        %get3A_461 = arith.index_cast %mul3A_368 : i32 to index
        %get3A_462 = tpu.vector_load %arg5[%get3A_460, %get3A_461] {strides = array<i32>} : memref<8x2048xf32, #tpu.memory_space<vmem>>, vector<1x16xf32>,
        %get3A_463 = vector.shape_cast %get3A_462 : vector<1x16xf32> to vector<16xf32>
        %get3A_464 = arith.constant 6 : i32
        %get3A_465 = arith.index_cast %get3A_464 : i32 to index
        %get3A_466 = arith.index_cast %mul3A_368 : i32 to index
        %get3A_467 = tpu.vector_load %arg6[%get3A_465, %get3A_466] {strides = array<i32>} : memref<8x2048xf32, #tpu.memory_space<vmem>>, vector<1x16xf32>,
        %get3A_468 = vector.shape_cast %get3A_467 : vector<1x16xf32> to vector<16xf32>
        %sub3A_469 = arith.subf %get3A_463, %get3A_468 : vector<16xf32>
        %mul3A_470 = arith.mulf %sub3A_469, %sub3A_469 : vector<16xf32>
        %add3A_471 = arith.addf %add3A_456, %mul3A_470 : vector<16xf32>
        %mul3A_472 = arith.mulf %get3A_468, %get3A_468 : vector<16xf32>
        %add3A_473 = arith.addf %add3A_458, %mul3A_472 : vector<16xf32>
        %get3A_474 = arith.constant 7 : i32
        %get3A_475 = arith.index_cast %get3A_474 : i32 to index
        %get3A_476 = arith.index_cast %mul3A_368 : i32 to index
        %get3A_477 = tpu.vector_load %arg5[%get3A_475, %get3A_476] {strides = array<i32>} : memref<8x2048xf32, #tpu.memory_space<vmem>>, vector<1x16xf32>,
        %get3A_478 = vector.shape_cast %get3A_477 : vector<1x16xf32> to vector<16xf32>
        %get3A_479 = arith.constant 7 : i32
        %get3A_480 = arith.index_cast %get3A_479 : i32 to index
        %get3A_481 = arith.index_cast %mul3A_368 : i32 to index
        %get3A_482 = tpu.vector_load %arg6[%get3A_480, %get3A_481] {strides = array<i32>} : memref<8x2048xf32, #tpu.memory_space<vmem>>, vector<1x16xf32>,
        %get3A_483 = vector.shape_cast %get3A_482 : vector<1x16xf32> to vector<16xf32>
        %sub3A_484 = arith.subf %get3A_478, %get3A_483 : vector<16xf32>
        %mul3A_485 = arith.mulf %sub3A_484, %sub3A_484 : vector<16xf32>
        %add3A_486 = arith.addf %add3A_471, %mul3A_485 : vector<16xf32>
        %mul3A_487 = arith.mulf %get3A_483, %get3A_483 : vector<16xf32>
        %add3A_488 = arith.addf %add3A_473, %mul3A_487 : vector<16xf32>
        %mul3A_489 = arith.constant 4 : i32
        %mul3A_490 = arith.muli %scan3A_110, %mul3A_489 : i32
        %add3A_491 = arith.constant 3 : i32
        %add3A_492 = arith.addi %mul3A_490, %add3A_491 : i32
        %mul3A_493 = arith.constant 16 : i32
        %mul3A_494 = arith.muli %add3A_492, %mul3A_493 : i32
        %get3A_495 = arith.constant 0 : i32
        %get3A_496 = arith.index_cast %get3A_495 : i32 to index
        %get3A_497 = arith.index_cast %mul3A_494 : i32 to index
        %get3A_498 = tpu.vector_load %arg5[%get3A_496, %get3A_497] {strides = array<i32>} : memref<8x2048xf32, #tpu.memory_space<vmem>>, vector<1x16xf32>,
        %get3A_499 = vector.shape_cast %get3A_498 : vector<1x16xf32> to vector<16xf32>
        %get3A_500 = arith.constant 0 : i32
        %get3A_501 = arith.index_cast %get3A_500 : i32 to index
        %get3A_502 = arith.index_cast %mul3A_494 : i32 to index
        %get3A_503 = tpu.vector_load %arg6[%get3A_501, %get3A_502] {strides = array<i32>} : memref<8x2048xf32, #tpu.memory_space<vmem>>, vector<1x16xf32>,
        %get3A_504 = vector.shape_cast %get3A_503 : vector<1x16xf32> to vector<16xf32>
        %sub3A_505 = arith.subf %get3A_499, %get3A_504 : vector<16xf32>
        %mul3A_506 = arith.mulf %sub3A_505, %sub3A_505 : vector<16xf32>
        %add3A_507 = arith.addf %add3A_486, %mul3A_506 : vector<16xf32>
        %mul3A_508 = arith.mulf %get3A_504, %get3A_504 : vector<16xf32>
        %add3A_509 = arith.addf %add3A_488, %mul3A_508 : vector<16xf32>
        %get3A_510 = arith.constant 1 : i32
        %get3A_511 = arith.index_cast %get3A_510 : i32 to index
        %get3A_512 = arith.index_cast %mul3A_494 : i32 to index
        %get3A_513 = tpu.vector_load %arg5[%get3A_511, %get3A_512] {strides = array<i32>} : memref<8x2048xf32, #tpu.memory_space<vmem>>, vector<1x16xf32>,
        %get3A_514 = vector.shape_cast %get3A_513 : vector<1x16xf32> to vector<16xf32>
        %get3A_515 = arith.constant 1 : i32
        %get3A_516 = arith.index_cast %get3A_515 : i32 to index
        %get3A_517 = arith.index_cast %mul3A_494 : i32 to index
        %get3A_518 = tpu.vector_load %arg6[%get3A_516, %get3A_517] {strides = array<i32>} : memref<8x2048xf32, #tpu.memory_space<vmem>>, vector<1x16xf32>,
        %get3A_519 = vector.shape_cast %get3A_518 : vector<1x16xf32> to vector<16xf32>
        %sub3A_520 = arith.subf %get3A_514, %get3A_519 : vector<16xf32>
        %mul3A_521 = arith.mulf %sub3A_520, %sub3A_520 : vector<16xf32>
        %add3A_522 = arith.addf %add3A_507, %mul3A_521 : vector<16xf32>
        %mul3A_523 = arith.mulf %get3A_519, %get3A_519 : vector<16xf32>
        %add3A_524 = arith.addf %add3A_509, %mul3A_523 : vector<16xf32>
        %get3A_525 = arith.constant 2 : i32
        %get3A_526 = arith.index_cast %get3A_525 : i32 to index
        %get3A_527 = arith.index_cast %mul3A_494 : i32 to index
        %get3A_528 = tpu.vector_load %arg5[%get3A_526, %get3A_527] {strides = array<i32>} : memref<8x2048xf32, #tpu.memory_space<vmem>>, vector<1x16xf32>,
        %get3A_529 = vector.shape_cast %get3A_528 : vector<1x16xf32> to vector<16xf32>
        %get3A_530 = arith.constant 2 : i32
        %get3A_531 = arith.index_cast %get3A_530 : i32 to index
        %get3A_532 = arith.index_cast %mul3A_494 : i32 to index
        %get3A_533 = tpu.vector_load %arg6[%get3A_531, %get3A_532] {strides = array<i32>} : memref<8x2048xf32, #tpu.memory_space<vmem>>, vector<1x16xf32>,
        %get3A_534 = vector.shape_cast %get3A_533 : vector<1x16xf32> to vector<16xf32>
        %sub3A_535 = arith.subf %get3A_529, %get3A_534 : vector<16xf32>
        %mul3A_536 = arith.mulf %sub3A_535, %sub3A_535 : vector<16xf32>
        %add3A_537 = arith.addf %add3A_522, %mul3A_536 : vector<16xf32>
        %mul3A_538 = arith.mulf %get3A_534, %get3A_534 : vector<16xf32>
        %add3A_539 = arith.addf %add3A_524, %mul3A_538 : vector<16xf32>
        %get3A_540 = arith.constant 3 : i32
        %get3A_541 = arith.index_cast %get3A_540 : i32 to index
        %get3A_542 = arith.index_cast %mul3A_494 : i32 to index
        %get3A_543 = tpu.vector_load %arg5[%get3A_541, %get3A_542] {strides = array<i32>} : memref<8x2048xf32, #tpu.memory_space<vmem>>, vector<1x16xf32>,
        %get3A_544 = vector.shape_cast %get3A_543 : vector<1x16xf32> to vector<16xf32>
        %get3A_545 = arith.constant 3 : i32
        %get3A_546 = arith.index_cast %get3A_545 : i32 to index
        %get3A_547 = arith.index_cast %mul3A_494 : i32 to index
        %get3A_548 = tpu.vector_load %arg6[%get3A_546, %get3A_547] {strides = array<i32>} : memref<8x2048xf32, #tpu.memory_space<vmem>>, vector<1x16xf32>,
        %get3A_549 = vector.shape_cast %get3A_548 : vector<1x16xf32> to vector<16xf32>
        %sub3A_550 = arith.subf %get3A_544, %get3A_549 : vector<16xf32>
        %mul3A_551 = arith.mulf %sub3A_550, %sub3A_550 : vector<16xf32>
        %add3A_552 = arith.addf %add3A_537, %mul3A_551 : vector<16xf32>
        %mul3A_553 = arith.mulf %get3A_549, %get3A_549 : vector<16xf32>
        %add3A_554 = arith.addf %add3A_539, %mul3A_553 : vector<16xf32>
        %get3A_555 = arith.constant 4 : i32
        %get3A_556 = arith.index_cast %get3A_555 : i32 to index
        %get3A_557 = arith.index_cast %mul3A_494 : i32 to index
        %get3A_558 = tpu.vector_load %arg5[%get3A_556, %get3A_557] {strides = array<i32>} : memref<8x2048xf32, #tpu.memory_space<vmem>>, vector<1x16xf32>,
        %get3A_559 = vector.shape_cast %get3A_558 : vector<1x16xf32> to vector<16xf32>
        %get3A_560 = arith.constant 4 : i32
        %get3A_561 = arith.index_cast %get3A_560 : i32 to index
        %get3A_562 = arith.index_cast %mul3A_494 : i32 to index
        %get3A_563 = tpu.vector_load %arg6[%get3A_561, %get3A_562] {strides = array<i32>} : memref<8x2048xf32, #tpu.memory_space<vmem>>, vector<1x16xf32>,
        %get3A_564 = vector.shape_cast %get3A_563 : vector<1x16xf32> to vector<16xf32>
        %sub3A_565 = arith.subf %get3A_559, %get3A_564 : vector<16xf32>
        %mul3A_566 = arith.mulf %sub3A_565, %sub3A_565 : vector<16xf32>
        %add3A_567 = arith.addf %add3A_552, %mul3A_566 : vector<16xf32>
        %mul3A_568 = arith.mulf %get3A_564, %get3A_564 : vector<16xf32>
        %add3A_569 = arith.addf %add3A_554, %mul3A_568 : vector<16xf32>
        %get3A_570 = arith.constant 5 : i32
        %get3A_571 = arith.index_cast %get3A_570 : i32 to index
        %get3A_572 = arith.index_cast %mul3A_494 : i32 to index
        %get3A_573 = tpu.vector_load %arg5[%get3A_571, %get3A_572] {strides = array<i32>} : memref<8x2048xf32, #tpu.memory_space<vmem>>, vector<1x16xf32>,
        %get3A_574 = vector.shape_cast %get3A_573 : vector<1x16xf32> to vector<16xf32>
        %get3A_575 = arith.constant 5 : i32
        %get3A_576 = arith.index_cast %get3A_575 : i32 to index
        %get3A_577 = arith.index_cast %mul3A_494 : i32 to index
        %get3A_578 = tpu.vector_load %arg6[%get3A_576, %get3A_577] {strides = array<i32>} : memref<8x2048xf32, #tpu.memory_space<vmem>>, vector<1x16xf32>,
        %get3A_579 = vector.shape_cast %get3A_578 : vector<1x16xf32> to vector<16xf32>
        %sub3A_580 = arith.subf %get3A_574, %get3A_579 : vector<16xf32>
        %mul3A_581 = arith.mulf %sub3A_580, %sub3A_580 : vector<16xf32>
        %add3A_582 = arith.addf %add3A_567, %mul3A_581 : vector<16xf32>
        %mul3A_583 = arith.mulf %get3A_579, %get3A_579 : vector<16xf32>
        %add3A_584 = arith.addf %add3A_569, %mul3A_583 : vector<16xf32>
        %get3A_585 = arith.constant 6 : i32
        %get3A_586 = arith.index_cast %get3A_585 : i32 to index
        %get3A_587 = arith.index_cast %mul3A_494 : i32 to index
        %get3A_588 = tpu.vector_load %arg5[%get3A_586, %get3A_587] {strides = array<i32>} : memref<8x2048xf32, #tpu.memory_space<vmem>>, vector<1x16xf32>,
        %get3A_589 = vector.shape_cast %get3A_588 : vector<1x16xf32> to vector<16xf32>
        %get3A_590 = arith.constant 6 : i32
        %get3A_591 = arith.index_cast %get3A_590 : i32 to index
        %get3A_592 = arith.index_cast %mul3A_494 : i32 to index
        %get3A_593 = tpu.vector_load %arg6[%get3A_591, %get3A_592] {strides = array<i32>} : memref<8x2048xf32, #tpu.memory_space<vmem>>, vector<1x16xf32>,
        %get3A_594 = vector.shape_cast %get3A_593 : vector<1x16xf32> to vector<16xf32>
        %sub3A_595 = arith.subf %get3A_589, %get3A_594 : vector<16xf32>
        %mul3A_596 = arith.mulf %sub3A_595, %sub3A_595 : vector<16xf32>
        %add3A_597 = arith.addf %add3A_582, %mul3A_596 : vector<16xf32>
        %mul3A_598 = arith.mulf %get3A_594, %get3A_594 : vector<16xf32>
        %add3A_599 = arith.addf %add3A_584, %mul3A_598 : vector<16xf32>
        %get3A_600 = arith.constant 7 : i32
        %get3A_601 = arith.index_cast %get3A_600 : i32 to index
        %get3A_602 = arith.index_cast %mul3A_494 : i32 to index
        %get3A_603 = tpu.vector_load %arg5[%get3A_601, %get3A_602] {strides = array<i32>} : memref<8x2048xf32, #tpu.memory_space<vmem>>, vector<1x16xf32>,
        %get3A_604 = vector.shape_cast %get3A_603 : vector<1x16xf32> to vector<16xf32>
        %get3A_605 = arith.constant 7 : i32
        %get3A_606 = arith.index_cast %get3A_605 : i32 to index
        %get3A_607 = arith.index_cast %mul3A_494 : i32 to index
        %get3A_608 = tpu.vector_load %arg6[%get3A_606, %get3A_607] {strides = array<i32>} : memref<8x2048xf32, #tpu.memory_space<vmem>>, vector<1x16xf32>,
        %get3A_609 = vector.shape_cast %get3A_608 : vector<1x16xf32> to vector<16xf32>
        %sub3A_610 = arith.subf %get3A_604, %get3A_609 : vector<16xf32>
        %mul3A_611 = arith.mulf %sub3A_610, %sub3A_610 : vector<16xf32>
        %add3A_612 = arith.addf %add3A_597, %mul3A_611 : vector<16xf32>
        %mul3A_613 = arith.mulf %get3A_609, %get3A_609 : vector<16xf32>
        %add3A_614 = arith.addf %add3A_599, %mul3A_613 : vector<16xf32>
        scf.yield %add3A_612, %add3A_614 : vector<16xf32>, vector<16xf32>
      }
      %scan3A_76 = arith.constant 32 : i32
      %dma_wait3A_77 = arith.constant 0 : i32
      %dma_wait3A_78 = arith.constant 0 : i32
      %dma_wait3A_79 = tpu.memref_slice %arg2[%dma_wait3A_77, %dma_wait3A_78] : memref<32768x2048xf32, #tpu.memory_space<hbm>> -> memref<8x2048xf32, #tpu.memory_space<hbm>>
      %dma_wait3A_80 = arith.constant 0 : i32
      %dma_wait3A_81 = arith.constant 0 : i32
      %dma_wait3A_82 = tpu.memref_slice %arg2[%dma_wait3A_80, %dma_wait3A_81] : memref<32768x2048xf32, #tpu.memory_space<hbm>> -> memref<8x2048xf32, #tpu.memory_space<hbm>>
      tpu.wait_dma2 semaphore(%arg11 : memref<!tpu.dma_semaphore, #tpu.memory_space<semaphore_mem>>) src(%dma_wait3A_82 : memref<8x2048xf32, #tpu.memory_space<hbm>>) dst(%arg7 : memref<8x2048xf32, #tpu.memory_space<vmem>>)
      %dma_wait3A_83 = arith.constant 0 : i32
      %dma_wait3A_84 = arith.constant 0 : i32
      %dma_wait3A_85 = tpu.memref_slice %arg3[%dma_wait3A_83, %dma_wait3A_84] : memref<32768x2048xf32, #tpu.memory_space<hbm>> -> memref<8x2048xf32, #tpu.memory_space<hbm>>
      %dma_wait3A_86 = arith.constant 0 : i32
      %dma_wait3A_87 = arith.constant 0 : i32
      %dma_wait3A_88 = tpu.memref_slice %arg3[%dma_wait3A_86, %dma_wait3A_87] : memref<32768x2048xf32, #tpu.memory_space<hbm>> -> memref<8x2048xf32, #tpu.memory_space<hbm>>
      tpu.wait_dma2 semaphore(%arg11 : memref<!tpu.dma_semaphore, #tpu.memory_space<semaphore_mem>>) src(%dma_wait3A_88 : memref<8x2048xf32, #tpu.memory_space<hbm>>) dst(%arg8 : memref<8x2048xf32, #tpu.memory_space<vmem>>)
      %add3A_89 = arith.constant 2 : i32
      %add3A_90 = arith.addi %mul3A_43, %add3A_89 : i32
      %mul3A_91 = arith.constant 8 : i32
      %mul3A_92 = arith.muli %add3A_90, %mul3A_91 : i32
      %add3A_93 = arith.addi %add3A_4, %mul3A_92 : i32
      %min3A_94 = arith.constant 32760 : i32
      %min3A_95 = arith.minsi %add3A_93, %min3A_94 : i32
      %dma_start3A_96 = arith.constant 0 : i32
      %dma_start3A_97 = tpu.memref_slice %arg2[%min3A_95, %dma_start3A_96] : memref<32768x2048xf32, #tpu.memory_space<hbm>> -> memref<8x2048xf32, #tpu.memory_space<hbm>>
      %dma_start3A_98 = arith.constant 0 : i32
      %dma_start3A_99 = tpu.memref_slice %arg2[%min3A_95, %dma_start3A_98] : memref<32768x2048xf32, #tpu.memory_space<hbm>> -> memref<8x2048xf32, #tpu.memory_space<hbm>>
      tpu.enqueue_dma source(%dma_start3A_99 : memref<8x2048xf32, #tpu.memory_space<hbm>>) target(%arg5 : memref<8x2048xf32, #tpu.memory_space<vmem>>) target_semaphore(%arg10 : memref<!tpu.dma_semaphore, #tpu.memory_space<semaphore_mem>>)
      %dma_start3A_100 = arith.constant 0 : i32
      %dma_start3A_101 = tpu.memref_slice %arg3[%min3A_95, %dma_start3A_100] : memref<32768x2048xf32, #tpu.memory_space<hbm>> -> memref<8x2048xf32, #tpu.memory_space<hbm>>
      %dma_start3A_102 = arith.constant 0 : i32
      %dma_start3A_103 = tpu.memref_slice %arg3[%min3A_95, %dma_start3A_102] : memref<32768x2048xf32, #tpu.memory_space<hbm>> -> memref<8x2048xf32, #tpu.memory_space<hbm>>
      tpu.enqueue_dma source(%dma_start3A_103 : memref<8x2048xf32, #tpu.memory_space<hbm>>) target(%arg6 : memref<8x2048xf32, #tpu.memory_space<vmem>>) target_semaphore(%arg10 : memref<!tpu.dma_semaphore, #tpu.memory_space<semaphore_mem>>)
      %scan3A_104 = arith.constant 0 : i32
      %scan3A_105 = arith.constant 32 : i32
      %scan3A_106 = arith.addi %scan3A_104, %scan3A_105 : i32
      %scan3A_107 = arith.constant 1 : i32
      %scan3A_108:2 = scf.for %scan3A_110 = %scan3A_104 to %scan3A_106 step %scan3A_107 iter_args(%scan3A_111 = %scan3A_75#0, %scan3A_112 = %scan3A_75#1) -> (vector<16xf32>, vector<16xf32>)  : i32 {
        %mul3A_113 = arith.constant 4 : i32
        %mul3A_114 = arith.muli %scan3A_110, %mul3A_113 : i32
        %add3A_115 = arith.constant 0 : i32
        %add3A_116 = arith.addi %mul3A_114, %add3A_115 : i32
        %mul3A_117 = arith.constant 16 : i32
        %mul3A_118 = arith.muli %add3A_116, %mul3A_117 : i32
        %get3A = arith.constant 0 : i32
        %get3A_119 = arith.index_cast %get3A : i32 to index
        %get3A_120 = arith.index_cast %mul3A_118 : i32 to index
        %get3A_121 = tpu.vector_load %arg7[%get3A_119, %get3A_120] {strides = array<i32>} : memref<8x2048xf32, #tpu.memory_space<vmem>>, vector<1x16xf32>,
        %get3A_122 = vector.shape_cast %get3A_121 : vector<1x16xf32> to vector<16xf32>
        %get3A_123 = arith.constant 0 : i32
        %get3A_124 = arith.index_cast %get3A_123 : i32 to index
        %get3A_125 = arith.index_cast %mul3A_118 : i32 to index
        %get3A_126 = tpu.vector_load %arg8[%get3A_124, %get3A_125] {strides = array<i32>} : memref<8x2048xf32, #tpu.memory_space<vmem>>, vector<1x16xf32>,
        %get3A_127 = vector.shape_cast %get3A_126 : vector<1x16xf32> to vector<16xf32>
        %sub3A = arith.subf %get3A_122, %get3A_127 : vector<16xf32>
        %mul3A_128 = arith.mulf %sub3A, %sub3A : vector<16xf32>
        %add3A_129 = arith.addf %scan3A_111, %mul3A_128 : vector<16xf32>
        %mul3A_130 = arith.mulf %get3A_127, %get3A_127 : vector<16xf32>
        %add3A_131 = arith.addf %scan3A_112, %mul3A_130 : vector<16xf32>
        %get3A_132 = arith.constant 1 : i32
        %get3A_133 = arith.index_cast %get3A_132 : i32 to index
        %get3A_134 = arith.index_cast %mul3A_118 : i32 to index
        %get3A_135 = tpu.vector_load %arg7[%get3A_133, %get3A_134] {strides = array<i32>} : memref<8x2048xf32, #tpu.memory_space<vmem>>, vector<1x16xf32>,
        %get3A_136 = vector.shape_cast %get3A_135 : vector<1x16xf32> to vector<16xf32>
        %get3A_137 = arith.constant 1 : i32
        %get3A_138 = arith.index_cast %get3A_137 : i32 to index
        %get3A_139 = arith.index_cast %mul3A_118 : i32 to index
        %get3A_140 = tpu.vector_load %arg8[%get3A_138, %get3A_139] {strides = array<i32>} : memref<8x2048xf32, #tpu.memory_space<vmem>>, vector<1x16xf32>,
        %get3A_141 = vector.shape_cast %get3A_140 : vector<1x16xf32> to vector<16xf32>
        %sub3A_142 = arith.subf %get3A_136, %get3A_141 : vector<16xf32>
        %mul3A_143 = arith.mulf %sub3A_142, %sub3A_142 : vector<16xf32>
        %add3A_144 = arith.addf %add3A_129, %mul3A_143 : vector<16xf32>
        %mul3A_145 = arith.mulf %get3A_141, %get3A_141 : vector<16xf32>
        %add3A_146 = arith.addf %add3A_131, %mul3A_145 : vector<16xf32>
        %get3A_147 = arith.constant 2 : i32
        %get3A_148 = arith.index_cast %get3A_147 : i32 to index
        %get3A_149 = arith.index_cast %mul3A_118 : i32 to index
        %get3A_150 = tpu.vector_load %arg7[%get3A_148, %get3A_149] {strides = array<i32>} : memref<8x2048xf32, #tpu.memory_space<vmem>>, vector<1x16xf32>,
        %get3A_151 = vector.shape_cast %get3A_150 : vector<1x16xf32> to vector<16xf32>
        %get3A_152 = arith.constant 2 : i32
        %get3A_153 = arith.index_cast %get3A_152 : i32 to index
        %get3A_154 = arith.index_cast %mul3A_118 : i32 to index
        %get3A_155 = tpu.vector_load %arg8[%get3A_153, %get3A_154] {strides = array<i32>} : memref<8x2048xf32, #tpu.memory_space<vmem>>, vector<1x16xf32>,
        %get3A_156 = vector.shape_cast %get3A_155 : vector<1x16xf32> to vector<16xf32>
        %sub3A_157 = arith.subf %get3A_151, %get3A_156 : vector<16xf32>
        %mul3A_158 = arith.mulf %sub3A_157, %sub3A_157 : vector<16xf32>
        %add3A_159 = arith.addf %add3A_144, %mul3A_158 : vector<16xf32>
        %mul3A_160 = arith.mulf %get3A_156, %get3A_156 : vector<16xf32>
        %add3A_161 = arith.addf %add3A_146, %mul3A_160 : vector<16xf32>
        %get3A_162 = arith.constant 3 : i32
        %get3A_163 = arith.index_cast %get3A_162 : i32 to index
        %get3A_164 = arith.index_cast %mul3A_118 : i32 to index
        %get3A_165 = tpu.vector_load %arg7[%get3A_163, %get3A_164] {strides = array<i32>} : memref<8x2048xf32, #tpu.memory_space<vmem>>, vector<1x16xf32>,
        %get3A_166 = vector.shape_cast %get3A_165 : vector<1x16xf32> to vector<16xf32>
        %get3A_167 = arith.constant 3 : i32
        %get3A_168 = arith.index_cast %get3A_167 : i32 to index
        %get3A_169 = arith.index_cast %mul3A_118 : i32 to index
        %get3A_170 = tpu.vector_load %arg8[%get3A_168, %get3A_169] {strides = array<i32>} : memref<8x2048xf32, #tpu.memory_space<vmem>>, vector<1x16xf32>,
        %get3A_171 = vector.shape_cast %get3A_170 : vector<1x16xf32> to vector<16xf32>
        %sub3A_172 = arith.subf %get3A_166, %get3A_171 : vector<16xf32>
        %mul3A_173 = arith.mulf %sub3A_172, %sub3A_172 : vector<16xf32>
        %add3A_174 = arith.addf %add3A_159, %mul3A_173 : vector<16xf32>
        %mul3A_175 = arith.mulf %get3A_171, %get3A_171 : vector<16xf32>
        %add3A_176 = arith.addf %add3A_161, %mul3A_175 : vector<16xf32>
        %get3A_177 = arith.constant 4 : i32
        %get3A_178 = arith.index_cast %get3A_177 : i32 to index
        %get3A_179 = arith.index_cast %mul3A_118 : i32 to index
        %get3A_180 = tpu.vector_load %arg7[%get3A_178, %get3A_179] {strides = array<i32>} : memref<8x2048xf32, #tpu.memory_space<vmem>>, vector<1x16xf32>,
        %get3A_181 = vector.shape_cast %get3A_180 : vector<1x16xf32> to vector<16xf32>
        %get3A_182 = arith.constant 4 : i32
        %get3A_183 = arith.index_cast %get3A_182 : i32 to index
        %get3A_184 = arith.index_cast %mul3A_118 : i32 to index
        %get3A_185 = tpu.vector_load %arg8[%get3A_183, %get3A_184] {strides = array<i32>} : memref<8x2048xf32, #tpu.memory_space<vmem>>, vector<1x16xf32>,
        %get3A_186 = vector.shape_cast %get3A_185 : vector<1x16xf32> to vector<16xf32>
        %sub3A_187 = arith.subf %get3A_181, %get3A_186 : vector<16xf32>
        %mul3A_188 = arith.mulf %sub3A_187, %sub3A_187 : vector<16xf32>
        %add3A_189 = arith.addf %add3A_174, %mul3A_188 : vector<16xf32>
        %mul3A_190 = arith.mulf %get3A_186, %get3A_186 : vector<16xf32>
        %add3A_191 = arith.addf %add3A_176, %mul3A_190 : vector<16xf32>
        %get3A_192 = arith.constant 5 : i32
        %get3A_193 = arith.index_cast %get3A_192 : i32 to index
        %get3A_194 = arith.index_cast %mul3A_118 : i32 to index
        %get3A_195 = tpu.vector_load %arg7[%get3A_193, %get3A_194] {strides = array<i32>} : memref<8x2048xf32, #tpu.memory_space<vmem>>, vector<1x16xf32>,
        %get3A_196 = vector.shape_cast %get3A_195 : vector<1x16xf32> to vector<16xf32>
        %get3A_197 = arith.constant 5 : i32
        %get3A_198 = arith.index_cast %get3A_197 : i32 to index
        %get3A_199 = arith.index_cast %mul3A_118 : i32 to index
        %get3A_200 = tpu.vector_load %arg8[%get3A_198, %get3A_199] {strides = array<i32>} : memref<8x2048xf32, #tpu.memory_space<vmem>>, vector<1x16xf32>,
        %get3A_201 = vector.shape_cast %get3A_200 : vector<1x16xf32> to vector<16xf32>
        %sub3A_202 = arith.subf %get3A_196, %get3A_201 : vector<16xf32>
        %mul3A_203 = arith.mulf %sub3A_202, %sub3A_202 : vector<16xf32>
        %add3A_204 = arith.addf %add3A_189, %mul3A_203 : vector<16xf32>
        %mul3A_205 = arith.mulf %get3A_201, %get3A_201 : vector<16xf32>
        %add3A_206 = arith.addf %add3A_191, %mul3A_205 : vector<16xf32>
        %get3A_207 = arith.constant 6 : i32
        %get3A_208 = arith.index_cast %get3A_207 : i32 to index
        %get3A_209 = arith.index_cast %mul3A_118 : i32 to index
        %get3A_210 = tpu.vector_load %arg7[%get3A_208, %get3A_209] {strides = array<i32>} : memref<8x2048xf32, #tpu.memory_space<vmem>>, vector<1x16xf32>,
        %get3A_211 = vector.shape_cast %get3A_210 : vector<1x16xf32> to vector<16xf32>
        %get3A_212 = arith.constant 6 : i32
        %get3A_213 = arith.index_cast %get3A_212 : i32 to index
        %get3A_214 = arith.index_cast %mul3A_118 : i32 to index
        %get3A_215 = tpu.vector_load %arg8[%get3A_213, %get3A_214] {strides = array<i32>} : memref<8x2048xf32, #tpu.memory_space<vmem>>, vector<1x16xf32>,
        %get3A_216 = vector.shape_cast %get3A_215 : vector<1x16xf32> to vector<16xf32>
        %sub3A_217 = arith.subf %get3A_211, %get3A_216 : vector<16xf32>
        %mul3A_218 = arith.mulf %sub3A_217, %sub3A_217 : vector<16xf32>
        %add3A_219 = arith.addf %add3A_204, %mul3A_218 : vector<16xf32>
        %mul3A_220 = arith.mulf %get3A_216, %get3A_216 : vector<16xf32>
        %add3A_221 = arith.addf %add3A_206, %mul3A_220 : vector<16xf32>
        %get3A_222 = arith.constant 7 : i32
        %get3A_223 = arith.index_cast %get3A_222 : i32 to index
        %get3A_224 = arith.index_cast %mul3A_118 : i32 to index
        %get3A_225 = tpu.vector_load %arg7[%get3A_223, %get3A_224] {strides = array<i32>} : memref<8x2048xf32, #tpu.memory_space<vmem>>, vector<1x16xf32>,
        %get3A_226 = vector.shape_cast %get3A_225 : vector<1x16xf32> to vector<16xf32>
        %get3A_227 = arith.constant 7 : i32
        %get3A_228 = arith.index_cast %get3A_227 : i32 to index
        %get3A_229 = arith.index_cast %mul3A_118 : i32 to index
        %get3A_230 = tpu.vector_load %arg8[%get3A_228, %get3A_229] {strides = array<i32>} : memref<8x2048xf32, #tpu.memory_space<vmem>>, vector<1x16xf32>,
        %get3A_231 = vector.shape_cast %get3A_230 : vector<1x16xf32> to vector<16xf32>
        %sub3A_232 = arith.subf %get3A_226, %get3A_231 : vector<16xf32>
        %mul3A_233 = arith.mulf %sub3A_232, %sub3A_232 : vector<16xf32>
        %add3A_234 = arith.addf %add3A_219, %mul3A_233 : vector<16xf32>
        %mul3A_235 = arith.mulf %get3A_231, %get3A_231 : vector<16xf32>
        %add3A_236 = arith.addf %add3A_221, %mul3A_235 : vector<16xf32>
        %mul3A_237 = arith.constant 4 : i32
        %mul3A_238 = arith.muli %scan3A_110, %mul3A_237 : i32
        %add3A_239 = arith.constant 1 : i32
        %add3A_240 = arith.addi %mul3A_238, %add3A_239 : i32
        %mul3A_241 = arith.constant 16 : i32
        %mul3A_242 = arith.muli %add3A_240, %mul3A_241 : i32
        %get3A_243 = arith.constant 0 : i32
        %get3A_244 = arith.index_cast %get3A_243 : i32 to index
        %get3A_245 = arith.index_cast %mul3A_242 : i32 to index
        %get3A_246 = tpu.vector_load %arg7[%get3A_244, %get3A_245] {strides = array<i32>} : memref<8x2048xf32, #tpu.memory_space<vmem>>, vector<1x16xf32>,
        %get3A_247 = vector.shape_cast %get3A_246 : vector<1x16xf32> to vector<16xf32>
        %get3A_248 = arith.constant 0 : i32
        %get3A_249 = arith.index_cast %get3A_248 : i32 to index
        %get3A_250 = arith.index_cast %mul3A_242 : i32 to index
        %get3A_251 = tpu.vector_load %arg8[%get3A_249, %get3A_250] {strides = array<i32>} : memref<8x2048xf32, #tpu.memory_space<vmem>>, vector<1x16xf32>,
        %get3A_252 = vector.shape_cast %get3A_251 : vector<1x16xf32> to vector<16xf32>
        %sub3A_253 = arith.subf %get3A_247, %get3A_252 : vector<16xf32>
        %mul3A_254 = arith.mulf %sub3A_253, %sub3A_253 : vector<16xf32>
        %add3A_255 = arith.addf %add3A_234, %mul3A_254 : vector<16xf32>
        %mul3A_256 = arith.mulf %get3A_252, %get3A_252 : vector<16xf32>
        %add3A_257 = arith.addf %add3A_236, %mul3A_256 : vector<16xf32>
        %get3A_258 = arith.constant 1 : i32
        %get3A_259 = arith.index_cast %get3A_258 : i32 to index
        %get3A_260 = arith.index_cast %mul3A_242 : i32 to index
        %get3A_261 = tpu.vector_load %arg7[%get3A_259, %get3A_260] {strides = array<i32>} : memref<8x2048xf32, #tpu.memory_space<vmem>>, vector<1x16xf32>,
        %get3A_262 = vector.shape_cast %get3A_261 : vector<1x16xf32> to vector<16xf32>
        %get3A_263 = arith.constant 1 : i32
        %get3A_264 = arith.index_cast %get3A_263 : i32 to index
        %get3A_265 = arith.index_cast %mul3A_242 : i32 to index
        %get3A_266 = tpu.vector_load %arg8[%get3A_264, %get3A_265] {strides = array<i32>} : memref<8x2048xf32, #tpu.memory_space<vmem>>, vector<1x16xf32>,
        %get3A_267 = vector.shape_cast %get3A_266 : vector<1x16xf32> to vector<16xf32>
        %sub3A_268 = arith.subf %get3A_262, %get3A_267 : vector<16xf32>
        %mul3A_269 = arith.mulf %sub3A_268, %sub3A_268 : vector<16xf32>
        %add3A_270 = arith.addf %add3A_255, %mul3A_269 : vector<16xf32>
        %mul3A_271 = arith.mulf %get3A_267, %get3A_267 : vector<16xf32>
        %add3A_272 = arith.addf %add3A_257, %mul3A_271 : vector<16xf32>
        %get3A_273 = arith.constant 2 : i32
        %get3A_274 = arith.index_cast %get3A_273 : i32 to index
        %get3A_275 = arith.index_cast %mul3A_242 : i32 to index
        %get3A_276 = tpu.vector_load %arg7[%get3A_274, %get3A_275] {strides = array<i32>} : memref<8x2048xf32, #tpu.memory_space<vmem>>, vector<1x16xf32>,
        %get3A_277 = vector.shape_cast %get3A_276 : vector<1x16xf32> to vector<16xf32>
        %get3A_278 = arith.constant 2 : i32
        %get3A_279 = arith.index_cast %get3A_278 : i32 to index
        %get3A_280 = arith.index_cast %mul3A_242 : i32 to index
        %get3A_281 = tpu.vector_load %arg8[%get3A_279, %get3A_280] {strides = array<i32>} : memref<8x2048xf32, #tpu.memory_space<vmem>>, vector<1x16xf32>,
        %get3A_282 = vector.shape_cast %get3A_281 : vector<1x16xf32> to vector<16xf32>
        %sub3A_283 = arith.subf %get3A_277, %get3A_282 : vector<16xf32>
        %mul3A_284 = arith.mulf %sub3A_283, %sub3A_283 : vector<16xf32>
        %add3A_285 = arith.addf %add3A_270, %mul3A_284 : vector<16xf32>
        %mul3A_286 = arith.mulf %get3A_282, %get3A_282 : vector<16xf32>
        %add3A_287 = arith.addf %add3A_272, %mul3A_286 : vector<16xf32>
        %get3A_288 = arith.constant 3 : i32
        %get3A_289 = arith.index_cast %get3A_288 : i32 to index
        %get3A_290 = arith.index_cast %mul3A_242 : i32 to index
        %get3A_291 = tpu.vector_load %arg7[%get3A_289, %get3A_290] {strides = array<i32>} : memref<8x2048xf32, #tpu.memory_space<vmem>>, vector<1x16xf32>,
        %get3A_292 = vector.shape_cast %get3A_291 : vector<1x16xf32> to vector<16xf32>
        %get3A_293 = arith.constant 3 : i32
        %get3A_294 = arith.index_cast %get3A_293 : i32 to index
        %get3A_295 = arith.index_cast %mul3A_242 : i32 to index
        %get3A_296 = tpu.vector_load %arg8[%get3A_294, %get3A_295] {strides = array<i32>} : memref<8x2048xf32, #tpu.memory_space<vmem>>, vector<1x16xf32>,
        %get3A_297 = vector.shape_cast %get3A_296 : vector<1x16xf32> to vector<16xf32>
        %sub3A_298 = arith.subf %get3A_292, %get3A_297 : vector<16xf32>
        %mul3A_299 = arith.mulf %sub3A_298, %sub3A_298 : vector<16xf32>
        %add3A_300 = arith.addf %add3A_285, %mul3A_299 : vector<16xf32>
        %mul3A_301 = arith.mulf %get3A_297, %get3A_297 : vector<16xf32>
        %add3A_302 = arith.addf %add3A_287, %mul3A_301 : vector<16xf32>
        %get3A_303 = arith.constant 4 : i32
        %get3A_304 = arith.index_cast %get3A_303 : i32 to index
        %get3A_305 = arith.index_cast %mul3A_242 : i32 to index
        %get3A_306 = tpu.vector_load %arg7[%get3A_304, %get3A_305] {strides = array<i32>} : memref<8x2048xf32, #tpu.memory_space<vmem>>, vector<1x16xf32>,
        %get3A_307 = vector.shape_cast %get3A_306 : vector<1x16xf32> to vector<16xf32>
        %get3A_308 = arith.constant 4 : i32
        %get3A_309 = arith.index_cast %get3A_308 : i32 to index
        %get3A_310 = arith.index_cast %mul3A_242 : i32 to index
        %get3A_311 = tpu.vector_load %arg8[%get3A_309, %get3A_310] {strides = array<i32>} : memref<8x2048xf32, #tpu.memory_space<vmem>>, vector<1x16xf32>,
        %get3A_312 = vector.shape_cast %get3A_311 : vector<1x16xf32> to vector<16xf32>
        %sub3A_313 = arith.subf %get3A_307, %get3A_312 : vector<16xf32>
        %mul3A_314 = arith.mulf %sub3A_313, %sub3A_313 : vector<16xf32>
        %add3A_315 = arith.addf %add3A_300, %mul3A_314 : vector<16xf32>
        %mul3A_316 = arith.mulf %get3A_312, %get3A_312 : vector<16xf32>
        %add3A_317 = arith.addf %add3A_302, %mul3A_316 : vector<16xf32>
        %get3A_318 = arith.constant 5 : i32
        %get3A_319 = arith.index_cast %get3A_318 : i32 to index
        %get3A_320 = arith.index_cast %mul3A_242 : i32 to index
        %get3A_321 = tpu.vector_load %arg7[%get3A_319, %get3A_320] {strides = array<i32>} : memref<8x2048xf32, #tpu.memory_space<vmem>>, vector<1x16xf32>,
        %get3A_322 = vector.shape_cast %get3A_321 : vector<1x16xf32> to vector<16xf32>
        %get3A_323 = arith.constant 5 : i32
        %get3A_324 = arith.index_cast %get3A_323 : i32 to index
        %get3A_325 = arith.index_cast %mul3A_242 : i32 to index
        %get3A_326 = tpu.vector_load %arg8[%get3A_324, %get3A_325] {strides = array<i32>} : memref<8x2048xf32, #tpu.memory_space<vmem>>, vector<1x16xf32>,
        %get3A_327 = vector.shape_cast %get3A_326 : vector<1x16xf32> to vector<16xf32>
        %sub3A_328 = arith.subf %get3A_322, %get3A_327 : vector<16xf32>
        %mul3A_329 = arith.mulf %sub3A_328, %sub3A_328 : vector<16xf32>
        %add3A_330 = arith.addf %add3A_315, %mul3A_329 : vector<16xf32>
        %mul3A_331 = arith.mulf %get3A_327, %get3A_327 : vector<16xf32>
        %add3A_332 = arith.addf %add3A_317, %mul3A_331 : vector<16xf32>
        %get3A_333 = arith.constant 6 : i32
        %get3A_334 = arith.index_cast %get3A_333 : i32 to index
        %get3A_335 = arith.index_cast %mul3A_242 : i32 to index
        %get3A_336 = tpu.vector_load %arg7[%get3A_334, %get3A_335] {strides = array<i32>} : memref<8x2048xf32, #tpu.memory_space<vmem>>, vector<1x16xf32>,
        %get3A_337 = vector.shape_cast %get3A_336 : vector<1x16xf32> to vector<16xf32>
        %get3A_338 = arith.constant 6 : i32
        %get3A_339 = arith.index_cast %get3A_338 : i32 to index
        %get3A_340 = arith.index_cast %mul3A_242 : i32 to index
        %get3A_341 = tpu.vector_load %arg8[%get3A_339, %get3A_340] {strides = array<i32>} : memref<8x2048xf32, #tpu.memory_space<vmem>>, vector<1x16xf32>,
        %get3A_342 = vector.shape_cast %get3A_341 : vector<1x16xf32> to vector<16xf32>
        %sub3A_343 = arith.subf %get3A_337, %get3A_342 : vector<16xf32>
        %mul3A_344 = arith.mulf %sub3A_343, %sub3A_343 : vector<16xf32>
        %add3A_345 = arith.addf %add3A_330, %mul3A_344 : vector<16xf32>
        %mul3A_346 = arith.mulf %get3A_342, %get3A_342 : vector<16xf32>
        %add3A_347 = arith.addf %add3A_332, %mul3A_346 : vector<16xf32>
        %get3A_348 = arith.constant 7 : i32
        %get3A_349 = arith.index_cast %get3A_348 : i32 to index
        %get3A_350 = arith.index_cast %mul3A_242 : i32 to index
        %get3A_351 = tpu.vector_load %arg7[%get3A_349, %get3A_350] {strides = array<i32>} : memref<8x2048xf32, #tpu.memory_space<vmem>>, vector<1x16xf32>,
        %get3A_352 = vector.shape_cast %get3A_351 : vector<1x16xf32> to vector<16xf32>
        %get3A_353 = arith.constant 7 : i32
        %get3A_354 = arith.index_cast %get3A_353 : i32 to index
        %get3A_355 = arith.index_cast %mul3A_242 : i32 to index
        %get3A_356 = tpu.vector_load %arg8[%get3A_354, %get3A_355] {strides = array<i32>} : memref<8x2048xf32, #tpu.memory_space<vmem>>, vector<1x16xf32>,
        %get3A_357 = vector.shape_cast %get3A_356 : vector<1x16xf32> to vector<16xf32>
        %sub3A_358 = arith.subf %get3A_352, %get3A_357 : vector<16xf32>
        %mul3A_359 = arith.mulf %sub3A_358, %sub3A_358 : vector<16xf32>
        %add3A_360 = arith.addf %add3A_345, %mul3A_359 : vector<16xf32>
        %mul3A_361 = arith.mulf %get3A_357, %get3A_357 : vector<16xf32>
        %add3A_362 = arith.addf %add3A_347, %mul3A_361 : vector<16xf32>
        %mul3A_363 = arith.constant 4 : i32
        %mul3A_364 = arith.muli %scan3A_110, %mul3A_363 : i32
        %add3A_365 = arith.constant 2 : i32
        %add3A_366 = arith.addi %mul3A_364, %add3A_365 : i32
        %mul3A_367 = arith.constant 16 : i32
        %mul3A_368 = arith.muli %add3A_366, %mul3A_367 : i32
        %get3A_369 = arith.constant 0 : i32
        %get3A_370 = arith.index_cast %get3A_369 : i32 to index
        %get3A_371 = arith.index_cast %mul3A_368 : i32 to index
        %get3A_372 = tpu.vector_load %arg7[%get3A_370, %get3A_371] {strides = array<i32>} : memref<8x2048xf32, #tpu.memory_space<vmem>>, vector<1x16xf32>,
        %get3A_373 = vector.shape_cast %get3A_372 : vector<1x16xf32> to vector<16xf32>
        %get3A_374 = arith.constant 0 : i32
        %get3A_375 = arith.index_cast %get3A_374 : i32 to index
        %get3A_376 = arith.index_cast %mul3A_368 : i32 to index
        %get3A_377 = tpu.vector_load %arg8[%get3A_375, %get3A_376] {strides = array<i32>} : memref<8x2048xf32, #tpu.memory_space<vmem>>, vector<1x16xf32>,
        %get3A_378 = vector.shape_cast %get3A_377 : vector<1x16xf32> to vector<16xf32>
        %sub3A_379 = arith.subf %get3A_373, %get3A_378 : vector<16xf32>
        %mul3A_380 = arith.mulf %sub3A_379, %sub3A_379 : vector<16xf32>
        %add3A_381 = arith.addf %add3A_360, %mul3A_380 : vector<16xf32>
        %mul3A_382 = arith.mulf %get3A_378, %get3A_378 : vector<16xf32>
        %add3A_383 = arith.addf %add3A_362, %mul3A_382 : vector<16xf32>
        %get3A_384 = arith.constant 1 : i32
        %get3A_385 = arith.index_cast %get3A_384 : i32 to index
        %get3A_386 = arith.index_cast %mul3A_368 : i32 to index
        %get3A_387 = tpu.vector_load %arg7[%get3A_385, %get3A_386] {strides = array<i32>} : memref<8x2048xf32, #tpu.memory_space<vmem>>, vector<1x16xf32>,
        %get3A_388 = vector.shape_cast %get3A_387 : vector<1x16xf32> to vector<16xf32>
        %get3A_389 = arith.constant 1 : i32
        %get3A_390 = arith.index_cast %get3A_389 : i32 to index
        %get3A_391 = arith.index_cast %mul3A_368 : i32 to index
        %get3A_392 = tpu.vector_load %arg8[%get3A_390, %get3A_391] {strides = array<i32>} : memref<8x2048xf32, #tpu.memory_space<vmem>>, vector<1x16xf32>,
        %get3A_393 = vector.shape_cast %get3A_392 : vector<1x16xf32> to vector<16xf32>
        %sub3A_394 = arith.subf %get3A_388, %get3A_393 : vector<16xf32>
        %mul3A_395 = arith.mulf %sub3A_394, %sub3A_394 : vector<16xf32>
        %add3A_396 = arith.addf %add3A_381, %mul3A_395 : vector<16xf32>
        %mul3A_397 = arith.mulf %get3A_393, %get3A_393 : vector<16xf32>
        %add3A_398 = arith.addf %add3A_383, %mul3A_397 : vector<16xf32>
        %get3A_399 = arith.constant 2 : i32
        %get3A_400 = arith.index_cast %get3A_399 : i32 to index
        %get3A_401 = arith.index_cast %mul3A_368 : i32 to index
        %get3A_402 = tpu.vector_load %arg7[%get3A_400, %get3A_401] {strides = array<i32>} : memref<8x2048xf32, #tpu.memory_space<vmem>>, vector<1x16xf32>,
        %get3A_403 = vector.shape_cast %get3A_402 : vector<1x16xf32> to vector<16xf32>
        %get3A_404 = arith.constant 2 : i32
        %get3A_405 = arith.index_cast %get3A_404 : i32 to index
        %get3A_406 = arith.index_cast %mul3A_368 : i32 to index
        %get3A_407 = tpu.vector_load %arg8[%get3A_405, %get3A_406] {strides = array<i32>} : memref<8x2048xf32, #tpu.memory_space<vmem>>, vector<1x16xf32>,
        %get3A_408 = vector.shape_cast %get3A_407 : vector<1x16xf32> to vector<16xf32>
        %sub3A_409 = arith.subf %get3A_403, %get3A_408 : vector<16xf32>
        %mul3A_410 = arith.mulf %sub3A_409, %sub3A_409 : vector<16xf32>
        %add3A_411 = arith.addf %add3A_396, %mul3A_410 : vector<16xf32>
        %mul3A_412 = arith.mulf %get3A_408, %get3A_408 : vector<16xf32>
        %add3A_413 = arith.addf %add3A_398, %mul3A_412 : vector<16xf32>
        %get3A_414 = arith.constant 3 : i32
        %get3A_415 = arith.index_cast %get3A_414 : i32 to index
        %get3A_416 = arith.index_cast %mul3A_368 : i32 to index
        %get3A_417 = tpu.vector_load %arg7[%get3A_415, %get3A_416] {strides = array<i32>} : memref<8x2048xf32, #tpu.memory_space<vmem>>, vector<1x16xf32>,
        %get3A_418 = vector.shape_cast %get3A_417 : vector<1x16xf32> to vector<16xf32>
        %get3A_419 = arith.constant 3 : i32
        %get3A_420 = arith.index_cast %get3A_419 : i32 to index
        %get3A_421 = arith.index_cast %mul3A_368 : i32 to index
        %get3A_422 = tpu.vector_load %arg8[%get3A_420, %get3A_421] {strides = array<i32>} : memref<8x2048xf32, #tpu.memory_space<vmem>>, vector<1x16xf32>,
        %get3A_423 = vector.shape_cast %get3A_422 : vector<1x16xf32> to vector<16xf32>
        %sub3A_424 = arith.subf %get3A_418, %get3A_423 : vector<16xf32>
        %mul3A_425 = arith.mulf %sub3A_424, %sub3A_424 : vector<16xf32>
        %add3A_426 = arith.addf %add3A_411, %mul3A_425 : vector<16xf32>
        %mul3A_427 = arith.mulf %get3A_423, %get3A_423 : vector<16xf32>
        %add3A_428 = arith.addf %add3A_413, %mul3A_427 : vector<16xf32>
        %get3A_429 = arith.constant 4 : i32
        %get3A_430 = arith.index_cast %get3A_429 : i32 to index
        %get3A_431 = arith.index_cast %mul3A_368 : i32 to index
        %get3A_432 = tpu.vector_load %arg7[%get3A_430, %get3A_431] {strides = array<i32>} : memref<8x2048xf32, #tpu.memory_space<vmem>>, vector<1x16xf32>,
        %get3A_433 = vector.shape_cast %get3A_432 : vector<1x16xf32> to vector<16xf32>
        %get3A_434 = arith.constant 4 : i32
        %get3A_435 = arith.index_cast %get3A_434 : i32 to index
        %get3A_436 = arith.index_cast %mul3A_368 : i32 to index
        %get3A_437 = tpu.vector_load %arg8[%get3A_435, %get3A_436] {strides = array<i32>} : memref<8x2048xf32, #tpu.memory_space<vmem>>, vector<1x16xf32>,
        %get3A_438 = vector.shape_cast %get3A_437 : vector<1x16xf32> to vector<16xf32>
        %sub3A_439 = arith.subf %get3A_433, %get3A_438 : vector<16xf32>
        %mul3A_440 = arith.mulf %sub3A_439, %sub3A_439 : vector<16xf32>
        %add3A_441 = arith.addf %add3A_426, %mul3A_440 : vector<16xf32>
        %mul3A_442 = arith.mulf %get3A_438, %get3A_438 : vector<16xf32>
        %add3A_443 = arith.addf %add3A_428, %mul3A_442 : vector<16xf32>
        %get3A_444 = arith.constant 5 : i32
        %get3A_445 = arith.index_cast %get3A_444 : i32 to index
        %get3A_446 = arith.index_cast %mul3A_368 : i32 to index
        %get3A_447 = tpu.vector_load %arg7[%get3A_445, %get3A_446] {strides = array<i32>} : memref<8x2048xf32, #tpu.memory_space<vmem>>, vector<1x16xf32>,
        %get3A_448 = vector.shape_cast %get3A_447 : vector<1x16xf32> to vector<16xf32>
        %get3A_449 = arith.constant 5 : i32
        %get3A_450 = arith.index_cast %get3A_449 : i32 to index
        %get3A_451 = arith.index_cast %mul3A_368 : i32 to index
        %get3A_452 = tpu.vector_load %arg8[%get3A_450, %get3A_451] {strides = array<i32>} : memref<8x2048xf32, #tpu.memory_space<vmem>>, vector<1x16xf32>,
        %get3A_453 = vector.shape_cast %get3A_452 : vector<1x16xf32> to vector<16xf32>
        %sub3A_454 = arith.subf %get3A_448, %get3A_453 : vector<16xf32>
        %mul3A_455 = arith.mulf %sub3A_454, %sub3A_454 : vector<16xf32>
        %add3A_456 = arith.addf %add3A_441, %mul3A_455 : vector<16xf32>
        %mul3A_457 = arith.mulf %get3A_453, %get3A_453 : vector<16xf32>
        %add3A_458 = arith.addf %add3A_443, %mul3A_457 : vector<16xf32>
        %get3A_459 = arith.constant 6 : i32
        %get3A_460 = arith.index_cast %get3A_459 : i32 to index
        %get3A_461 = arith.index_cast %mul3A_368 : i32 to index
        %get3A_462 = tpu.vector_load %arg7[%get3A_460, %get3A_461] {strides = array<i32>} : memref<8x2048xf32, #tpu.memory_space<vmem>>, vector<1x16xf32>,
        %get3A_463 = vector.shape_cast %get3A_462 : vector<1x16xf32> to vector<16xf32>
        %get3A_464 = arith.constant 6 : i32
        %get3A_465 = arith.index_cast %get3A_464 : i32 to index
        %get3A_466 = arith.index_cast %mul3A_368 : i32 to index
        %get3A_467 = tpu.vector_load %arg8[%get3A_465, %get3A_466] {strides = array<i32>} : memref<8x2048xf32, #tpu.memory_space<vmem>>, vector<1x16xf32>,
        %get3A_468 = vector.shape_cast %get3A_467 : vector<1x16xf32> to vector<16xf32>
        %sub3A_469 = arith.subf %get3A_463, %get3A_468 : vector<16xf32>
        %mul3A_470 = arith.mulf %sub3A_469, %sub3A_469 : vector<16xf32>
        %add3A_471 = arith.addf %add3A_456, %mul3A_470 : vector<16xf32>
        %mul3A_472 = arith.mulf %get3A_468, %get3A_468 : vector<16xf32>
        %add3A_473 = arith.addf %add3A_458, %mul3A_472 : vector<16xf32>
        %get3A_474 = arith.constant 7 : i32
        %get3A_475 = arith.index_cast %get3A_474 : i32 to index
        %get3A_476 = arith.index_cast %mul3A_368 : i32 to index
        %get3A_477 = tpu.vector_load %arg7[%get3A_475, %get3A_476] {strides = array<i32>} : memref<8x2048xf32, #tpu.memory_space<vmem>>, vector<1x16xf32>,
        %get3A_478 = vector.shape_cast %get3A_477 : vector<1x16xf32> to vector<16xf32>
        %get3A_479 = arith.constant 7 : i32
        %get3A_480 = arith.index_cast %get3A_479 : i32 to index
        %get3A_481 = arith.index_cast %mul3A_368 : i32 to index
        %get3A_482 = tpu.vector_load %arg8[%get3A_480, %get3A_481] {strides = array<i32>} : memref<8x2048xf32, #tpu.memory_space<vmem>>, vector<1x16xf32>,
        %get3A_483 = vector.shape_cast %get3A_482 : vector<1x16xf32> to vector<16xf32>
        %sub3A_484 = arith.subf %get3A_478, %get3A_483 : vector<16xf32>
        %mul3A_485 = arith.mulf %sub3A_484, %sub3A_484 : vector<16xf32>
        %add3A_486 = arith.addf %add3A_471, %mul3A_485 : vector<16xf32>
        %mul3A_487 = arith.mulf %get3A_483, %get3A_483 : vector<16xf32>
        %add3A_488 = arith.addf %add3A_473, %mul3A_487 : vector<16xf32>
        %mul3A_489 = arith.constant 4 : i32
        %mul3A_490 = arith.muli %scan3A_110, %mul3A_489 : i32
        %add3A_491 = arith.constant 3 : i32
        %add3A_492 = arith.addi %mul3A_490, %add3A_491 : i32
        %mul3A_493 = arith.constant 16 : i32
        %mul3A_494 = arith.muli %add3A_492, %mul3A_493 : i32
        %get3A_495 = arith.constant 0 : i32
        %get3A_496 = arith.index_cast %get3A_495 : i32 to index
        %get3A_497 = arith.index_cast %mul3A_494 : i32 to index
        %get3A_498 = tpu.vector_load %arg7[%get3A_496, %get3A_497] {strides = array<i32>} : memref<8x2048xf32, #tpu.memory_space<vmem>>, vector<1x16xf32>,
        %get3A_499 = vector.shape_cast %get3A_498 : vector<1x16xf32> to vector<16xf32>
        %get3A_500 = arith.constant 0 : i32
        %get3A_501 = arith.index_cast %get3A_500 : i32 to index
        %get3A_502 = arith.index_cast %mul3A_494 : i32 to index
        %get3A_503 = tpu.vector_load %arg8[%get3A_501, %get3A_502] {strides = array<i32>} : memref<8x2048xf32, #tpu.memory_space<vmem>>, vector<1x16xf32>,
        %get3A_504 = vector.shape_cast %get3A_503 : vector<1x16xf32> to vector<16xf32>
        %sub3A_505 = arith.subf %get3A_499, %get3A_504 : vector<16xf32>
        %mul3A_506 = arith.mulf %sub3A_505, %sub3A_505 : vector<16xf32>
        %add3A_507 = arith.addf %add3A_486, %mul3A_506 : vector<16xf32>
        %mul3A_508 = arith.mulf %get3A_504, %get3A_504 : vector<16xf32>
        %add3A_509 = arith.addf %add3A_488, %mul3A_508 : vector<16xf32>
        %get3A_510 = arith.constant 1 : i32
        %get3A_511 = arith.index_cast %get3A_510 : i32 to index
        %get3A_512 = arith.index_cast %mul3A_494 : i32 to index
        %get3A_513 = tpu.vector_load %arg7[%get3A_511, %get3A_512] {strides = array<i32>} : memref<8x2048xf32, #tpu.memory_space<vmem>>, vector<1x16xf32>,
        %get3A_514 = vector.shape_cast %get3A_513 : vector<1x16xf32> to vector<16xf32>
        %get3A_515 = arith.constant 1 : i32
        %get3A_516 = arith.index_cast %get3A_515 : i32 to index
        %get3A_517 = arith.index_cast %mul3A_494 : i32 to index
        %get3A_518 = tpu.vector_load %arg8[%get3A_516, %get3A_517] {strides = array<i32>} : memref<8x2048xf32, #tpu.memory_space<vmem>>, vector<1x16xf32>,
        %get3A_519 = vector.shape_cast %get3A_518 : vector<1x16xf32> to vector<16xf32>
        %sub3A_520 = arith.subf %get3A_514, %get3A_519 : vector<16xf32>
        %mul3A_521 = arith.mulf %sub3A_520, %sub3A_520 : vector<16xf32>
        %add3A_522 = arith.addf %add3A_507, %mul3A_521 : vector<16xf32>
        %mul3A_523 = arith.mulf %get3A_519, %get3A_519 : vector<16xf32>
        %add3A_524 = arith.addf %add3A_509, %mul3A_523 : vector<16xf32>
        %get3A_525 = arith.constant 2 : i32
        %get3A_526 = arith.index_cast %get3A_525 : i32 to index
        %get3A_527 = arith.index_cast %mul3A_494 : i32 to index
        %get3A_528 = tpu.vector_load %arg7[%get3A_526, %get3A_527] {strides = array<i32>} : memref<8x2048xf32, #tpu.memory_space<vmem>>, vector<1x16xf32>,
        %get3A_529 = vector.shape_cast %get3A_528 : vector<1x16xf32> to vector<16xf32>
        %get3A_530 = arith.constant 2 : i32
        %get3A_531 = arith.index_cast %get3A_530 : i32 to index
        %get3A_532 = arith.index_cast %mul3A_494 : i32 to index
        %get3A_533 = tpu.vector_load %arg8[%get3A_531, %get3A_532] {strides = array<i32>} : memref<8x2048xf32, #tpu.memory_space<vmem>>, vector<1x16xf32>,
        %get3A_534 = vector.shape_cast %get3A_533 : vector<1x16xf32> to vector<16xf32>
        %sub3A_535 = arith.subf %get3A_529, %get3A_534 : vector<16xf32>
        %mul3A_536 = arith.mulf %sub3A_535, %sub3A_535 : vector<16xf32>
        %add3A_537 = arith.addf %add3A_522, %mul3A_536 : vector<16xf32>
        %mul3A_538 = arith.mulf %get3A_534, %get3A_534 : vector<16xf32>
        %add3A_539 = arith.addf %add3A_524, %mul3A_538 : vector<16xf32>
        %get3A_540 = arith.constant 3 : i32
        %get3A_541 = arith.index_cast %get3A_540 : i32 to index
        %get3A_542 = arith.index_cast %mul3A_494 : i32 to index
        %get3A_543 = tpu.vector_load %arg7[%get3A_541, %get3A_542] {strides = array<i32>} : memref<8x2048xf32, #tpu.memory_space<vmem>>, vector<1x16xf32>,
        %get3A_544 = vector.shape_cast %get3A_543 : vector<1x16xf32> to vector<16xf32>
        %get3A_545 = arith.constant 3 : i32
        %get3A_546 = arith.index_cast %get3A_545 : i32 to index
        %get3A_547 = arith.index_cast %mul3A_494 : i32 to index
        %get3A_548 = tpu.vector_load %arg8[%get3A_546, %get3A_547] {strides = array<i32>} : memref<8x2048xf32, #tpu.memory_space<vmem>>, vector<1x16xf32>,
        %get3A_549 = vector.shape_cast %get3A_548 : vector<1x16xf32> to vector<16xf32>
        %sub3A_550 = arith.subf %get3A_544, %get3A_549 : vector<16xf32>
        %mul3A_551 = arith.mulf %sub3A_550, %sub3A_550 : vector<16xf32>
        %add3A_552 = arith.addf %add3A_537, %mul3A_551 : vector<16xf32>
        %mul3A_553 = arith.mulf %get3A_549, %get3A_549 : vector<16xf32>
        %add3A_554 = arith.addf %add3A_539, %mul3A_553 : vector<16xf32>
        %get3A_555 = arith.constant 4 : i32
        %get3A_556 = arith.index_cast %get3A_555 : i32 to index
        %get3A_557 = arith.index_cast %mul3A_494 : i32 to index
        %get3A_558 = tpu.vector_load %arg7[%get3A_556, %get3A_557] {strides = array<i32>} : memref<8x2048xf32, #tpu.memory_space<vmem>>, vector<1x16xf32>,
        %get3A_559 = vector.shape_cast %get3A_558 : vector<1x16xf32> to vector<16xf32>
        %get3A_560 = arith.constant 4 : i32
        %get3A_561 = arith.index_cast %get3A_560 : i32 to index
        %get3A_562 = arith.index_cast %mul3A_494 : i32 to index
        %get3A_563 = tpu.vector_load %arg8[%get3A_561, %get3A_562] {strides = array<i32>} : memref<8x2048xf32, #tpu.memory_space<vmem>>, vector<1x16xf32>,
        %get3A_564 = vector.shape_cast %get3A_563 : vector<1x16xf32> to vector<16xf32>
        %sub3A_565 = arith.subf %get3A_559, %get3A_564 : vector<16xf32>
        %mul3A_566 = arith.mulf %sub3A_565, %sub3A_565 : vector<16xf32>
        %add3A_567 = arith.addf %add3A_552, %mul3A_566 : vector<16xf32>
        %mul3A_568 = arith.mulf %get3A_564, %get3A_564 : vector<16xf32>
        %add3A_569 = arith.addf %add3A_554, %mul3A_568 : vector<16xf32>
        %get3A_570 = arith.constant 5 : i32
        %get3A_571 = arith.index_cast %get3A_570 : i32 to index
        %get3A_572 = arith.index_cast %mul3A_494 : i32 to index
        %get3A_573 = tpu.vector_load %arg7[%get3A_571, %get3A_572] {strides = array<i32>} : memref<8x2048xf32, #tpu.memory_space<vmem>>, vector<1x16xf32>,
        %get3A_574 = vector.shape_cast %get3A_573 : vector<1x16xf32> to vector<16xf32>
        %get3A_575 = arith.constant 5 : i32
        %get3A_576 = arith.index_cast %get3A_575 : i32 to index
        %get3A_577 = arith.index_cast %mul3A_494 : i32 to index
        %get3A_578 = tpu.vector_load %arg8[%get3A_576, %get3A_577] {strides = array<i32>} : memref<8x2048xf32, #tpu.memory_space<vmem>>, vector<1x16xf32>,
        %get3A_579 = vector.shape_cast %get3A_578 : vector<1x16xf32> to vector<16xf32>
        %sub3A_580 = arith.subf %get3A_574, %get3A_579 : vector<16xf32>
        %mul3A_581 = arith.mulf %sub3A_580, %sub3A_580 : vector<16xf32>
        %add3A_582 = arith.addf %add3A_567, %mul3A_581 : vector<16xf32>
        %mul3A_583 = arith.mulf %get3A_579, %get3A_579 : vector<16xf32>
        %add3A_584 = arith.addf %add3A_569, %mul3A_583 : vector<16xf32>
        %get3A_585 = arith.constant 6 : i32
        %get3A_586 = arith.index_cast %get3A_585 : i32 to index
        %get3A_587 = arith.index_cast %mul3A_494 : i32 to index
        %get3A_588 = tpu.vector_load %arg7[%get3A_586, %get3A_587] {strides = array<i32>} : memref<8x2048xf32, #tpu.memory_space<vmem>>, vector<1x16xf32>,
        %get3A_589 = vector.shape_cast %get3A_588 : vector<1x16xf32> to vector<16xf32>
        %get3A_590 = arith.constant 6 : i32
        %get3A_591 = arith.index_cast %get3A_590 : i32 to index
        %get3A_592 = arith.index_cast %mul3A_494 : i32 to index
        %get3A_593 = tpu.vector_load %arg8[%get3A_591, %get3A_592] {strides = array<i32>} : memref<8x2048xf32, #tpu.memory_space<vmem>>, vector<1x16xf32>,
        %get3A_594 = vector.shape_cast %get3A_593 : vector<1x16xf32> to vector<16xf32>
        %sub3A_595 = arith.subf %get3A_589, %get3A_594 : vector<16xf32>
        %mul3A_596 = arith.mulf %sub3A_595, %sub3A_595 : vector<16xf32>
        %add3A_597 = arith.addf %add3A_582, %mul3A_596 : vector<16xf32>
        %mul3A_598 = arith.mulf %get3A_594, %get3A_594 : vector<16xf32>
        %add3A_599 = arith.addf %add3A_584, %mul3A_598 : vector<16xf32>
        %get3A_600 = arith.constant 7 : i32
        %get3A_601 = arith.index_cast %get3A_600 : i32 to index
        %get3A_602 = arith.index_cast %mul3A_494 : i32 to index
        %get3A_603 = tpu.vector_load %arg7[%get3A_601, %get3A_602] {strides = array<i32>} : memref<8x2048xf32, #tpu.memory_space<vmem>>, vector<1x16xf32>,
        %get3A_604 = vector.shape_cast %get3A_603 : vector<1x16xf32> to vector<16xf32>
        %get3A_605 = arith.constant 7 : i32
        %get3A_606 = arith.index_cast %get3A_605 : i32 to index
        %get3A_607 = arith.index_cast %mul3A_494 : i32 to index
        %get3A_608 = tpu.vector_load %arg8[%get3A_606, %get3A_607] {strides = array<i32>} : memref<8x2048xf32, #tpu.memory_space<vmem>>, vector<1x16xf32>,
        %get3A_609 = vector.shape_cast %get3A_608 : vector<1x16xf32> to vector<16xf32>
        %sub3A_610 = arith.subf %get3A_604, %get3A_609 : vector<16xf32>
        %mul3A_611 = arith.mulf %sub3A_610, %sub3A_610 : vector<16xf32>
        %add3A_612 = arith.addf %add3A_597, %mul3A_611 : vector<16xf32>
        %mul3A_613 = arith.mulf %get3A_609, %get3A_609 : vector<16xf32>
        %add3A_614 = arith.addf %add3A_599, %mul3A_613 : vector<16xf32>
        scf.yield %add3A_612, %add3A_614 : vector<16xf32>, vector<16xf32>
      }
      %scan3A_109 = arith.constant 32 : i32
      scf.yield %scan3A_108#0, %scan3A_108#1 : vector<16xf32>, vector<16xf32>
    }
    %scan3A_20 = arith.constant 8 : i32
    %dma_wait3A = arith.constant 0 : i32
    %dma_wait3A_21 = arith.constant 0 : i32
    %dma_wait3A_22 = tpu.memref_slice %arg2[%dma_wait3A, %dma_wait3A_21] : memref<32768x2048xf32, #tpu.memory_space<hbm>> -> memref<8x2048xf32, #tpu.memory_space<hbm>>
    %dma_wait3A_23 = arith.constant 0 : i32
    %dma_wait3A_24 = arith.constant 0 : i32
    %dma_wait3A_25 = tpu.memref_slice %arg2[%dma_wait3A_23, %dma_wait3A_24] : memref<32768x2048xf32, #tpu.memory_space<hbm>> -> memref<8x2048xf32, #tpu.memory_space<hbm>>
    tpu.wait_dma2 semaphore(%arg10 : memref<!tpu.dma_semaphore, #tpu.memory_space<semaphore_mem>>) src(%dma_wait3A_25 : memref<8x2048xf32, #tpu.memory_space<hbm>>) dst(%arg5 : memref<8x2048xf32, #tpu.memory_space<vmem>>)
    %dma_wait3A_26 = arith.constant 0 : i32
    %dma_wait3A_27 = arith.constant 0 : i32
    %dma_wait3A_28 = tpu.memref_slice %arg3[%dma_wait3A_26, %dma_wait3A_27] : memref<32768x2048xf32, #tpu.memory_space<hbm>> -> memref<8x2048xf32, #tpu.memory_space<hbm>>
    %dma_wait3A_29 = arith.constant 0 : i32
    %dma_wait3A_30 = arith.constant 0 : i32
    %dma_wait3A_31 = tpu.memref_slice %arg3[%dma_wait3A_29, %dma_wait3A_30] : memref<32768x2048xf32, #tpu.memory_space<hbm>> -> memref<8x2048xf32, #tpu.memory_space<hbm>>
    tpu.wait_dma2 semaphore(%arg10 : memref<!tpu.dma_semaphore, #tpu.memory_space<semaphore_mem>>) src(%dma_wait3A_31 : memref<8x2048xf32, #tpu.memory_space<hbm>>) dst(%arg6 : memref<8x2048xf32, #tpu.memory_space<vmem>>)
    %swap3A = arith.constant 0 : index
    %swap3A_32 = tpu.vector_load %arg9[%swap3A] {strides = array<i32>} : memref<32xf32, #tpu.memory_space<vmem>>, vector<16xf32>,
    %swap3A_33 = vector.shape_cast %swap3A_32 : vector<16xf32> to vector<16xf32>
    %swap3A_34 = vector.shape_cast %scan3A_19#0 : vector<16xf32> to vector<16xf32>
    tpu.vector_store %arg9[%swap3A], %swap3A_34 {strides = array<i32>} : memref<32xf32, #tpu.memory_space<vmem>>, vector<16xf32>,
    %swap3A_35 = arith.constant 16 : index
    %swap3A_36 = tpu.vector_load %arg9[%swap3A_35] {strides = array<i32>} : memref<32xf32, #tpu.memory_space<vmem>>, vector<16xf32>,
    %swap3A_37 = vector.shape_cast %swap3A_36 : vector<16xf32> to vector<16xf32>
    %swap3A_38 = vector.shape_cast %scan3A_19#1 : vector<16xf32> to vector<16xf32>
    tpu.vector_store %arg9[%swap3A_35], %swap3A_38 {strides = array<i32>} : memref<32xf32, #tpu.memory_space<vmem>>, vector<16xf32>,
    "tpu.region"() ({
      %run_scoped3A = tpu.sem_alloc : memref<!tpu.dma_semaphore, #tpu.memory_space<semaphore_mem>>
      %dma_start3A_39 = arith.constant 0 : i32
      %dma_start3A_40 = tpu.memref_slice %arg4[%add3A, %dma_start3A_39] : memref<32x32xf32, #tpu.memory_space<hbm>> -> memref<1x32xf32, #tpu.memory_space<hbm>>
      %dma_start3A_41 = tpu.memref_squeeze %dma_start3A_40 : memref<1x32xf32, #tpu.memory_space<hbm>> -> memref<32xf32, #tpu.memory_space<hbm>>
      %dma_start3A_42 = arith.constant 0 : i32
      %dma_start3A_43 = tpu.memref_slice %arg4[%add3A, %dma_start3A_42] : memref<32x32xf32, #tpu.memory_space<hbm>> -> memref<1x32xf32, #tpu.memory_space<hbm>>
      %dma_start3A_44 = tpu.memref_squeeze %dma_start3A_43 : memref<1x32xf32, #tpu.memory_space<hbm>> -> memref<32xf32, #tpu.memory_space<hbm>>
      tpu.enqueue_dma source(%arg9 : memref<32xf32, #tpu.memory_space<vmem>>) target(%dma_start3A_44 : memref<32xf32, #tpu.memory_space<hbm>>) target_semaphore(%run_scoped3A : memref<!tpu.dma_semaphore, #tpu.memory_space<semaphore_mem>>)
      %dma_wait3A_45 = arith.constant 0 : i32
      %dma_wait3A_46 = tpu.memref_slice %arg4[%add3A, %dma_wait3A_45] : memref<32x32xf32, #tpu.memory_space<hbm>> -> memref<1x32xf32, #tpu.memory_space<hbm>>
      %dma_wait3A_47 = tpu.memref_squeeze %dma_wait3A_46 : memref<1x32xf32, #tpu.memory_space<hbm>> -> memref<32xf32, #tpu.memory_space<hbm>>
      %dma_wait3A_48 = arith.constant 0 : i32
      %dma_wait3A_49 = tpu.memref_slice %arg4[%add3A, %dma_wait3A_48] : memref<32x32xf32, #tpu.memory_space<hbm>> -> memref<1x32xf32, #tpu.memory_space<hbm>>
      %dma_wait3A_50 = tpu.memref_squeeze %dma_wait3A_49 : memref<1x32xf32, #tpu.memory_space<hbm>> -> memref<32xf32, #tpu.memory_space<hbm>>
      tpu.wait_dma2 semaphore(%run_scoped3A : memref<!tpu.dma_semaphore, #tpu.memory_space<semaphore_mem>>) src(%arg9 : memref<32xf32, #tpu.memory_space<vmem>>) dst(%dma_wait3A_50 : memref<32xf32, #tpu.memory_space<hbm>>)
      tpu.yield
    }) : () -> ()
    return
  }
}

module attributes {stable_mosaic.version = 14 : i64} {
  func.func @_tc_body(%arg0: i32, %arg1: memref<1024x2048xf32, #tpu.memory_space<vmem>>, %arg2: memref<1024x2048xf32, #tpu.memory_space<vmem>>, %arg3: memref<2xf32, #tpu.memory_space<smem>>, %arg4: memref<2xf32, #tpu.memory_space<smem>>) attributes {dimension_semantics = [#tpu.dimension_semantics<arbitrary>], iteration_bounds = array<i64: 28>, scalar_prefetch = 0 : i64, scratch_operands = 1 : i64, tpu.core_type = #tpu.core_type<tc>, window_params = [{transform_indices = @transform_0, window_bounds = array<i64: 1024, 2048>}, {transform_indices = @transform_1, window_bounds = array<i64: 1024, 2048>}, {transform_indices = @transform_2, window_bounds = array<i64: 2>}]} {
    %eq3A = arith.constant 0 : i32
    %eq3A_0 = arith.cmpi eq, %arg0, %eq3A : i32
    %convert_element_type3A = arith.extui %eq3A_0 : i1 to i32
    %cond3A = arith.constant 0 : i32
    %cond3A_1 = arith.cmpi ne, %convert_element_type3A, %cond3A : i32
    scf.if %cond3A_1 {
      %swap3A_30 = arith.constant 0.000000e+00 : f32
      %swap3A_31 = arith.constant 0 : index
      %swap3A_32 = memref.load %arg4[%swap3A_31] : memref<2xf32, #tpu.memory_space<smem>>
      memref.store %swap3A_30, %arg4[%swap3A_31] : memref<2xf32, #tpu.memory_space<smem>>
      %swap3A_33 = arith.constant 0.000000e+00 : f32
      %swap3A_34 = arith.constant 1 : index
      %swap3A_35 = memref.load %arg4[%swap3A_34] : memref<2xf32, #tpu.memory_space<smem>>
      memref.store %swap3A_33, %arg4[%swap3A_34] : memref<2xf32, #tpu.memory_space<smem>>
    } else {
    }
    %get3A = arith.constant 0 : index
    %get3A_2 = arith.constant 0 : index
    %get3A_3 = vector.load %arg1[%get3A, %get3A_2] : memref<1024x2048xf32, #tpu.memory_space<vmem>>, vector<1024x2048xf32>
    %get3A_4 = arith.constant 0 : index
    %get3A_5 = arith.constant 0 : index
    %get3A_6 = vector.load %arg2[%get3A_4, %get3A_5] : memref<1024x2048xf32, #tpu.memory_space<vmem>>, vector<1024x2048xf32>
    %sub3A = arith.subf %get3A_3, %get3A_6 : vector<1024x2048xf32>
    %get3A_7 = arith.constant 0 : index
    %get3A_8 = memref.load %arg4[%get3A_7] : memref<2xf32, #tpu.memory_space<smem>>
    %mul3A = arith.mulf %sub3A, %sub3A : vector<1024x2048xf32>
    %reduce_sum3A = vector.shape_cast %mul3A : vector<1024x2048xf32> to vector<1x1024x2048xf32>
    %reduce_sum3A_9 = arith.constant dense<0.000000e+00> : vector<1xf32>
    %reduce_sum3A_10 = vector.multi_reduction <add>, %reduce_sum3A, %reduce_sum3A_9 [1, 2] : vector<1x1024x2048xf32> to vector<1xf32>
    %reduce_sum3A_11 = vector.shape_cast %reduce_sum3A_10 : vector<1xf32> to vector<1x1x1xf32>
    %reduce_sum3A_12 = vector.extract %reduce_sum3A_11[0, 0, 0] : f32 from vector<1x1x1xf32>
    %add3A = arith.addf %get3A_8, %reduce_sum3A_12 : f32
    %swap3A = arith.constant 0 : index
    %swap3A_13 = memref.load %arg4[%swap3A] : memref<2xf32, #tpu.memory_space<smem>>
    memref.store %add3A, %arg4[%swap3A] : memref<2xf32, #tpu.memory_space<smem>>
    %get3A_14 = arith.constant 1 : index
    %get3A_15 = memref.load %arg4[%get3A_14] : memref<2xf32, #tpu.memory_space<smem>>
    %mul3A_16 = arith.mulf %get3A_6, %get3A_6 : vector<1024x2048xf32>
    %reduce_sum3A_17 = vector.shape_cast %mul3A_16 : vector<1024x2048xf32> to vector<1x1024x2048xf32>
    %reduce_sum3A_18 = arith.constant dense<0.000000e+00> : vector<1xf32>
    %reduce_sum3A_19 = vector.multi_reduction <add>, %reduce_sum3A_17, %reduce_sum3A_18 [1, 2] : vector<1x1024x2048xf32> to vector<1xf32>
    %reduce_sum3A_20 = vector.shape_cast %reduce_sum3A_19 : vector<1xf32> to vector<1x1x1xf32>
    %reduce_sum3A_21 = vector.extract %reduce_sum3A_20[0, 0, 0] : f32 from vector<1x1x1xf32>
    %add3A_22 = arith.addf %get3A_15, %reduce_sum3A_21 : f32
    %swap3A_23 = arith.constant 1 : index
    %swap3A_24 = memref.load %arg4[%swap3A_23] : memref<2xf32, #tpu.memory_space<smem>>
    memref.store %add3A_22, %arg4[%swap3A_23] : memref<2xf32, #tpu.memory_space<smem>>
    %eq3A_25 = arith.constant 27 : i32
    %eq3A_26 = arith.cmpi eq, %arg0, %eq3A_25 : i32
    %convert_element_type3A_27 = arith.extui %eq3A_26 : i1 to i32
    %cond3A_28 = arith.constant 0 : i32
    %cond3A_29 = arith.cmpi ne, %convert_element_type3A_27, %cond3A_28 : i32
    scf.if %cond3A_29 {
      %get3A_30 = arith.constant 0 : index
      %get3A_31 = memref.load %arg4[%get3A_30] : memref<2xf32, #tpu.memory_space<smem>>
      %swap3A_32 = arith.constant 0 : index
      %swap3A_33 = memref.load %arg3[%swap3A_32] : memref<2xf32, #tpu.memory_space<smem>>
      memref.store %get3A_31, %arg3[%swap3A_32] : memref<2xf32, #tpu.memory_space<smem>>
      %get3A_34 = arith.constant 1 : index
      %get3A_35 = memref.load %arg4[%get3A_34] : memref<2xf32, #tpu.memory_space<smem>>
      %swap3A_36 = arith.constant 1 : index
      %swap3A_37 = memref.load %arg3[%swap3A_36] : memref<2xf32, #tpu.memory_space<smem>>
      memref.store %get3A_35, %arg3[%swap3A_36] : memref<2xf32, #tpu.memory_space<smem>>
    } else {
    }
    return
  }
  func.func @transform_0(%arg0: i32) -> (i32, i32) {
    %c0_i32 = arith.constant 0 : i32
    %c0_i32_0 = arith.constant 0 : i32
    return %arg0, %c0_i32 : i32, i32
  }
  func.func @transform_1(%arg0: i32) -> (i32, i32) {
    %c0_i32 = arith.constant 0 : i32
    %c0_i32_0 = arith.constant 0 : i32
    return %arg0, %c0_i32 : i32, i32
  }
  func.func @transform_2(%arg0: i32) -> i32 {
    %c0_i32 = arith.constant 0 : i32
    %c0_i32_0 = arith.constant 0 : i32
    return %c0_i32 : i32
  }
}

</mosaic_0001>

<sc_bundles>
// kernel: kernel.4.cloned.1.call-start
scs
__scs_entry_jumppad:
0x0: {  	(pc) =	sbr.rel $0x88, $3  }
0x1: {  	(tag) =	ssettag $0x0;
	lr =	simm.s32 $0x1  }
0x2: {  	[smem:$0x3F9F] =	sst lr;
	_ =	strace $0xD0000000  }
0x3: {  	_ = 	snop  }
0x4: {  	_ = 	snop  }
0x5: {  	_ = 	snop  }
0x6: {  	_ = 	snop  }
0x7: {  	_ = 	snop  }
__scs_overlays_trampoline_lowered:
0x8: {  	[smem:$0x3FAE] =	sst s0  }
0x9: {  	[smem:$0x3FAF] =	sst s1  }
0xa: {  	[smem:$0x3FB0] =	sst s2  }
0xb: {  	[smem:$0x3FB1] =	sst s3  }
0xc: {  	[smem:$0x3FB2] =	sst s4  }
0xd: {  	[smem:$0x3FB3] =	sst s5  }
0xe: {  	[smem:$0x3FB4] =	sst s6  }
0xf: {  	[smem:$0x3FB5] =	sst s7  }
0x10: {  	[smem:$0x3FB6] =	sst s8  }
0x11: {  	[smem:$0x3FB7] =	sst s9;
	s0 =	simm.s32 @!p0 $0x0  }
0x12: {  	s1 =	sld [smem:$0x3F9D];
	s0 =	simm.s32 @p0 $0x1  }
0x13: {  	[smem:$0x3FB8] =	sst s0;
	s0 =	simm.s32 @!p1 $0x0  }
0x14: {  	s2 =	sld [smem:$0x3F9C];
	s0 =	simm.s32 @p1 $0x1  }
0x15: {  	[smem:$0x3FB9] =	sst s0;
	s0 =	simm.s32 @!p2 $0x0  }
0x16: {  	s3 =	sld [smem:$0x3FDB];
	s0 =	simm.s32 @p2 $0x1  }
0x17: {  	s4 =	simm.s32 $0x1BF5;
	[smem:$0x3FBB] =	sst s0  }
0x18: {  	s0 =	sld [smem:$0x3F9E];
	_ =	swait.ge [sflag:s4], $0x0  }
0x19: {  	s7 =	sld [smem:$0x3F9F]  }
0x1a: {  	s8 =	sadd.s32 $0xFFFFE003, lr  }
0x1b: {  	s9 =	sadd.s32 $0xFFFFFEF7, lr;
	s5 =	simm.s32 $0xFFFFFFFF;
	p2 =	slt.u32 s8, $0xFFFFF086  }
0x1c: {  	p1 =	slt.u32 s9, $0xF7A;
	s5 =	simm.s32 @!p2 $0x0  }
0x1d: {  	s5 =	simm.s32 @p1 $0x1;
	p0 =	seq.s32 s7, s2  }
0x1e: {  	s7 =	smul.u32 @!p0 $0xF7A, s2;
	p2 =	seq.s32 @!p0 s5, $0x0  }
0x1f: {  	s9 =	smul.u32 $0xF7A, s1;
	s8 =	simm.s32 @!p0 $0x1BF5;
	p2 =	por !p2, p0  }
0x20: {  	[sflag:s8] =	ssyncset.s32 @!p0 $0xFFFFF086;
	s6 =	sadd.s32 @!p0 s3, s7;
	s7 =	simm.s32 @!p0 $0x108  }
0x21: {  	s3 =	sadd.s32 s3, s9;
	s6 =	sadd.s32 @!p0 $0x88, s6;
	s7 =	simm.s32 @p2 $0x1082  }
0x22: {  	[simem:s7], [sflag:s8] =	dma.local @!p0 [hbm:s6], $0xF7A  }
0x23: {  	s9 =	sor.u32 $0xD0000000, s2;
	s6 =	simm.s32 $0x108;
	_ =	swait.ge @!p0 [sflag:s8], $0x0  }
0x24: {  	s3 =	sadd.s32 $0x88, s3;
	s6 =	simm.s32 @!p1 $0x1082;
	[sflag:s4] =	ssyncset.s32 $0xFFFFF086  }
0x25: {  	[simem:s6], [sflag:s4] =	dma.local [hbm:s3], $0xF7A  }
0x26: {  	[smem:$0x3F9F] =	sst s1;
	(tag) =	ssettag s2;
	_ =	strace s9  }
0x27: {  	s1 =	sld [smem:$0x3FAF]  }
0x28: {  	s2 =	sld [smem:$0x3FB0]  }
0x29: {  	s4 =	sld [smem:$0x3FB2]  }
0x2a: {  	p0 =	seq.s32 s5, $0x0;
	s5 =	sld [smem:$0x3FB3]  }
0x2b: {  	s6 =	sld [smem:$0x3FB4]  }
0x2c: {  	s7 =	sld [smem:$0x3FB5]  }
0x2d: {  	s3 =	simm.s32 $0x108;
	s8 =	sld [smem:$0x3FB6]  }
0x2e: {  	s3 =	simm.s32 @!p0 $0x1082;
	s9 =	sld [smem:$0x3FB7]  }
0x2f: {  	lr =	sadd.s32 s0, s3;
	s0 =	sld [smem:$0x3FAE]  }
0x30: {  	s3 =	sld [smem:$0x3FB1]  }
0x31: {  	[smem:$0x3FBA] =	sst s10  }
0x32: {  	s10 =	sld [smem:$0x3FB8];
	_ =	sdelay $0x3  }
0x33: {  	p0 =	seq.s32 s10, $0x1;
	s10 =	sld [smem:$0x3FBA];
	_ =	sdelay $0x3  }
0x34: {  	[smem:$0x3FBA] =	sst s10  }
0x35: {  	s10 =	sld [smem:$0x3FB9];
	_ =	sdelay $0x3  }
0x36: {  	p1 =	seq.s32 s10, $0x1;
	s10 =	sld [smem:$0x3FBA];
	_ =	sdelay $0x3  }
0x37: {  	[smem:$0x3FBA] =	sst s10  }
0x38: {  	s10 =	sld [smem:$0x3FBB]  }
0x39: {  	_ = 	snop;
	(pc) =	sbr.ind lr, $3  }
0x3a: {  	_ = 	snop  }
0x3b: {  	_ = 	snop  }
0x3c: {  	p2 =	seq.s32 s10, $0x1;
	s10 =	sld [smem:$0x3FBA]  }
0x3d: {  	_ =	shalt  }
0x3e: {  	_ =	shalt  }
0x3f: {  	_ =	shalt  }
0x40: {  	_ =	shalt  }
0x41: {  	_ =	shalt  }
0x42: {  	_ =	shalt  }
0x43: {  	_ =	shalt  }
0x44: {  	_ =	shalt  }
0x45: {  	_ =	shalt  }
0x46: {  	_ =	shalt  }
0x47: {  	_ =	shalt  }
0x48: {  	_ =	shalt  }
0x49: {  	_ =	shalt  }
0x4a: {  	_ =	shalt  }
0x4b: {  	_ =	shalt  }
0x4c: {  	_ =	shalt  }
0x4d: {  	_ =	shalt  }
0x4e: {  	_ =	shalt  }
0x4f: {  	_ =	shalt  }
0x50: {  	_ =	shalt  }
0x51: {  	_ =	shalt  }
0x52: {  	_ =	shalt  }
0x53: {  	_ =	shalt  }
0x54: {  	_ =	shalt  }
0x55: {  	_ =	shalt  }
0x56: {  	_ =	shalt  }
0x57: {  	_ =	shalt  }
0x58: {  	_ =	shalt  }
0x59: {  	_ =	shalt  }
0x5a: {  	_ =	shalt  }
0x5b: {  	_ =	shalt  }
0x5c: {  	_ =	shalt  }
0x5d: {  	_ =	shalt  }
0x5e: {  	_ =	shalt  }
0x5f: {  	_ =	shalt  }
0x60: {  	_ =	shalt  }
0x61: {  	_ =	shalt  }
0x62: {  	_ =	shalt  }
0x63: {  	_ =	shalt  }
0x64: {  	_ =	shalt  }
0x65: {  	_ =	shalt  }
0x66: {  	_ =	shalt  }
0x67: {  	_ =	shalt  }
0x68: {  	_ =	shalt  }
0x69: {  	_ =	shalt  }
0x6a: {  	_ =	shalt  }
0x6b: {  	_ =	shalt  }
0x6c: {  	_ =	shalt  }
0x6d: {  	_ =	shalt  }
0x6e: {  	_ =	shalt  }
0x6f: {  	_ =	shalt  }
0x70: {  	_ =	shalt  }
0x71: {  	_ =	shalt  }
0x72: {  	_ =	shalt  }
0x73: {  	_ =	shalt  }
0x74: {  	_ =	shalt  }
0x75: {  	_ =	shalt  }
0x76: {  	_ =	shalt  }
0x77: {  	_ =	shalt  }
0x78: {  	_ =	shalt  }
0x79: {  	_ =	shalt  }
0x7a: {  	_ =	shalt  }
0x7b: {  	_ =	shalt  }
0x7c: {  	_ =	shalt  }
0x7d: {  	_ =	shalt  }
0x7e: {  	_ =	shalt  }
0x7f: {  	_ =	shalt  }
0x80: {  	_ =	shalt  }
0x81: {  	_ =	shalt  }
0x82: {  	_ =	shalt  }
0x83: {  	_ =	shalt  }
0x84: {  	_ =	shalt  }
0x85: {  	_ =	shalt  }
0x86: {  	_ =	shalt  }
0x87: {  	_ =	shalt  }
.Lfunc_end0:
.L_simem_size_0:
called_computation_lowered:
.L_overlay_start_0:
0x88: {  	s2 =	sld [smem:$0x3FD9]  }
0x89: {  	s3 =	sld [smem:$0x3FFE];
	_ =	sdelay $0x1  }
0x8a: {  	s1 =	srdreg.scid  }
0x8b: {  	s0 =	sand.u32 $0x1, s1  }
0x8c: {  	s17 =	sshll.u32 s0, $0xA;
	s2 =	sadd.s32 s3, s2  }
0x8d: {  	s2 =	sadd.s32 s2, s17  }
0x8e: {  	[smem:$0x3FC6] =	sst s2  }
0x8f: {  	_ = 	snop  }
0x90: {  	s2 =	sld [smem:$0x3FC9]  }
0x91: {  	s18 =	sld [smem:$0x3FC8];
	(tm) =	ssettm $0x1  }
0x92: {  	s4 =	sld [smem:$0x3FFB];
	_ =	sdelay $0x3  }
0x93: {  	_ =	strace s4  }
0x94: {  	s4 =	sld [smem:$0x3FFC];
	_ =	sdelay $0x3  }
0x95: {  	_ =	strace s4  }
0x96: {  	s4 =	sld [smem:$0x3FFD];
	_ =	sdelay $0x3  }
0x97: {  	_ =	strace s4  }
0x98: {  	_ =	strace $0x8FFFFFFF  }
0x99: {  	s19 =	sld [smem:$0x3FDB];
	_ =	sdelay $0x1  }
0x9a: {  	s5 =	simm.s32 $_scs_section_size  }
0x9b: {  	s6 =	simm.s32 $_size__tile_overlayer_lowered;
	s7 =	simm.s32 $_tile_overlayer_lowered  }
0x9c: {  	s22 =	simm.s32 $0x1BFF;
	s21 =	sshll.u32 s7, $0x1;
	s4 =	sadd.s32 s5, s19  }
0x9d: {  	s8 =	simm.s32 $0x0;
	s20 =	sshll.u32 s6, $0x1;
	s6 =	sadd.s32 s21, s4  }
0x9e: {  	[timem:s8], [sflag:s22] =	dma.local [hbm:s6], s20  }
0x9f: {  	_ =	swait.ge [sflag:s22], s20  }
0xa0: {  	s5 =	ssub.s32 $0x0, s20;
	[sflag:s22] =	ssyncset.done $0x0  }
0xa1: {  	[sflag:s22] =	ssyncadd.s32 s5;
	_ =	sdelay $0x1  }
0xa2: {  	s23 =	simm.s32 $0x1B8B  }
0xa3: {  	_ =	swait.ge [sflag:s23], $0x1  }
0xa4: {  	[sflag:s23] =	ssyncset.done $0x0  }
0xa5: {  	s25 =	simm.s32 $0x1B8E;
	s24 =	sld [smem:$0x3FFE];
	[sflag:s23] =	ssyncadd.s32 $0xFFFFFFFF  }
0xa6: {  	s26 =	simm.s32 $execute0_lowered;
	[smem:$0x3FD2] =	sst s25  }
0xa7: {  	s6 =	sshll.u32 s26, $0x1;
	_ =	strace $0x80000046;
	[dreg:$0x1] =	wrdreg $0xFFFFFFFF  }
0xa8: {  	s28 =	simm.s32 $_size_execute0_lowered;
	s4 =	sadd.s32 s4, s6;
	[dreg:$0x0] =	wrdreg $0x0  }
0xa9: {  	s6 =	sshll.u32 s28, $0x1;
	[dreg:$0x2] =	wrdreg s4  }
0xaa: {  	[dreg:$0x3] =	wrdreg s6  }
0xab: {  	[dreg:$0x4] =	wrdreg $0xC0  }
0xac: {  	_ =	task [dreg:s8], $0x5FFFF  }
0xad: {  	[dreg:$0x1] =	wrdreg $0xFFFFFFFF  }
0xae: {  	[dreg:$0x0] =	wrdreg $0x60  }
0xaf: {  	[dreg:$0x2] =	wrdreg s2  }
0xb0: {  	[dreg:$0x3] =	wrdreg s18  }
0xb1: {  	[dreg:$0x4] =	wrdreg s24  }
0xb2: {  	[dreg:$0x5] =	wrdreg $0x9  }
0xb3: {  	_ =	task.clear_ibuf [dreg:s8], $0x6FFFF;
	_ =	strace $0x90000046  }
0xb4: {  	s29 =	simm.s32 $0x9;
	_ =	strace $0x80000048  }
0xb5: {  	_ =	swait.ge [sflag:s29], $0x1  }
0xb6: {  	[sflag:s29] =	ssyncadd.s32 $0xFFFFFFFF  }
0xb7: {  	_ =	strace $0x90000048  }
0xb8: {  	_ =	sfence  }
0xb9: {  	s30 =	sld [smem:$0x0];
	_ =	sdelay $0x2  }
0xba: {  	s31 =	sshll.u32 s1, $0xD;
	s1 =	sshrl.u32 s1, $0x2  }
0xbb: {  	s3 =	sand.u32 $0x4000, s31;
	s1 =	sadd.s32 s1, s30  }
0xbc: {  	s0 =	sor.u32 s3, s0;
	s1 =	sshll.u32 s1, $0x11  }
0xbd: {  	s0 =	sor.u32 s1, s0  }
0xbe: {  	s0 =	sadd.s32 $0x8F2B, s0  }
0xbf: {  	[sflag:s0] =	ssyncadd.remote.s32 $0x1  }
0xc0: {  	_ =	sfence.sel $0xFFFF  }
0xc1: {  	[dreg:$0x0] =	wrdreg $0xFFFFFFFF;
	(pc) =	sbr.abs _section_cstart, $3  }
0xc2: {  	[dreg:$0x1] =	wrdreg $0xFFFFFFFF  }
0xc3: {  	_ =	task.clear_ibuf [dreg:s8], $0x2FFFF;
	_ =	strace $0x9FFFFFFF  }
0xc4: {  	(tm) =	ssettm $0x7FFFFFFF  }
0xc5: {  	_ =	shalt  }
tec
execute0_lowered:
.L_overlay_start_1:
0x0: {  	(tag) =	ssettag $0x1  }
0x1: {  	s1 =	rddreg [dreg:$0x0]  }
0x2: {  	s2 =	srdreg.scid;
	s3 =	rddreg [dreg:$0x1]  }
0x3: {  	s0 =	stileid.u32;
	s9 =	rddreg [dreg:$0x2]  }
0x4: {  	s4 =	simm.s32 $0x0;
	s12 =	simm.s32 $0x1;
	s13 =	simm.s32 $0x8000  }
0x5: {  	s14 =	simm.s32 $0xC000;
	s15 =	simm.s32 $0x2;
	s16 =	simm.s32 $0x10000  }
0x6: {  	s17 =	simm.s32 $0x3;
	s18 =	simm.s32 $0x0;
	s6 =	sand.u32 $0x1, s2  }
0x7: {  	s5 =	sshll.u32 s0, $0x8;
	s2 =	rddreg [dreg:$0x3];
	s7 =	sshll.u32 s6, $0x7  }
0x8: {  	[smem:$0x7FF] =	sst s4;
	s6 =	ssub.s32 $0x2, s6;
	s5 =	sor.u32 s7, s5  }
0x9: {  	_ =	strace $0x80000047;
	s8 =	sshrl.u32 s6, $0x1;
	s7 =	sshll.u32 s5, $0x8  }
0xa: {  	s10 =	ssub.s32 s6, s8;
	s11 =	sshrl.u32 s5, $0x3;
	s8 =	sor.u32 $0x7010, s5  }
0xb: {  	s7 =	sor.u32 $0x700000, s7;
	s9 =	sadd.s32 s9, s11;
	s10 =	smax.u32 s10, $0x1  }
0xc: {  	s11 =	simm.s32 $0x4000;
	s6 =	sadd.s32 s1, s7;
	s7 =	sadd.s32 s3, s7  }
.LBB2_1:
0xd: {  	[tilespmem:s4], [sflag:$0x1] =	stream.linear.gather [hbm4b:s6+s4], $0x4000, $0x38;
	[tilespmem:$0x10080] =	vst v63  }
0xe: {  	s19 =	simm.s32 $0x0  }
0xf: {  	v0 =	vimm.f32 $0.0e+00;
	v1 =	vimm.f32 $0.0e+00;
	[tilespmem:s11], [sflag:$0x1] =	stream.linear.gather [hbm4b:s7+s4], $0x4000, $0x38;
	[tilespmem:$0x10080] =	vst v63  }
.LBB2_2:
0x10: {  	_ =	swait.ge [sflag:s12], $0x4000  }
0x11: {  	s20 =	sshll.u32 s19, $0x4;
	[sflag:s12] =	ssyncset.done $0x0  }
0x12: {  	s21 =	sor.u32 s20, s5;
	[sflag:s12] =	ssyncadd.s32 $0xFFFFC000  }
0x13: {  	s21 =	sshll.u32 s21, $0x8;
	_ =	swait.ge [sflag:s12], $0x4000  }
0x14: {  	s21 =	sor.u32 $0x700800, s21;
	[sflag:s12] =	ssyncset.done $0x0  }
0x15: {  	s23 =	simm.s32 $0x0;
	s22 =	sadd.s32 s1, s21;
	[sflag:s12] =	ssyncadd.s32 $0xFFFFC000  }
0x16: {  	[tilespmem:s13], [sflag:$0x2] =	stream.linear.gather [hbm4b:s22+s23], $0x4000, $0x38;
	[tilespmem:$0x10080] =	vst v63  }
0x17: {  	s24 =	sand.u32 $0x40, s23;
	s25 =	sand.u32 $0x3C00, s23;
	s21 =	sadd.s32 s3, s21  }
0x18: {  	[tilespmem:s14], [sflag:$0x2] =	stream.linear.gather [hbm4b:s21+s23], $0x4000, $0x38;
	[tilespmem:$0x10080] =	vst v63  }
0x19: {  	s21 =	sor.u32 s24, s25  }
0x1a: {  	v2 =	vld [tilespmem:s21+$0x0]  }
0x1b: {  	v3 =	vld [tilespmem:s21+$0x4000]  }
0x1c: {  	v4 =	vld [tilespmem:s21+$0x80]  }
0x1d: {  	p0 =	por $0x0, $0x0;
	s22 =	simm.s32 $0x1;
	v5 =	vld [tilespmem:s21+$0x4080]  }
0x1e: {  	s22 =	simm.s32 @!p0 $0x0;
	v6 =	vld [tilespmem:s21+$0x100]  }
0x1f: {  	s22 =	sshll.u32 s22, $0x6;
	v7 =	vld [tilespmem:s21+$0x4100]  }
0x20: {  	s22 =	sadd.s32 $0x0, s22;
	v8 =	vld [tilespmem:s21+$0x180]  }
0x21: {  	v9 =	vld [tilespmem:s21+$0x4180];
	s26 =	sor.u32 $0x200, s22;
	v2 =	vsub.f32 v2, v3  }
0x22: {  	v10 =	vld [tilespmem:s26+$0x0];
	v3 =	vmul.f32 v3, v3  }
0x23: {  	s28 =	sor.u32 $0x280, s22;
	v11 =	vld [tilespmem:s26+$0x4000];
	v4 =	vsub.f32 v4, v5;
	v2 =	vmul.f32 v2, v2  }
0x24: {  	v12 =	vld [tilespmem:s28+$0x0];
	v5 =	vmul.f32 v5, v5;
	v0 =	vadd.f32 v3, v0  }
0x25: {  	s29 =	sor.u32 $0x300, s22;
	v6 =	vsub.f32 v6, v7;
	v3 =	vld [tilespmem:s28+$0x4000];
	v1 =	vadd.f32 v2, v1;
	v2 =	vmul.f32 v4, v4  }
0x26: {  	v4 =	vmul.f32 v7, v7;
	v7 =	vsub.f32 v8, v9;
	v8 =	vld [tilespmem:s29+$0x0];
	v0 =	vadd.f32 v5, v0  }
0x27: {  	s30 =	sor.u32 $0x380, s22;
	v5 =	vld [tilespmem:s29+$0x4000];
	v1 =	vadd.f32 v2, v1;
	v2 =	vmul.f32 v6, v6  }
0x28: {  	v6 =	vmul.f32 v9, v9;
	v9 =	vsub.f32 v10, v11;
	v10 =	vld [tilespmem:s30+$0x0];
	v0 =	vadd.f32 v4, v0  }
0x29: {  	v4 =	vld [tilespmem:s30+$0x4000];
	v1 =	vadd.f32 v2, v1;
	v2 =	vmul.f32 v7, v7  }
0x2a: {  	v7 =	vmul.f32 v11, v11;
	v11 =	vsub.f32 v12, v3;
	v12 =	vld [tilespmem:s21+$0x10];
	v0 =	vadd.f32 v6, v0  }
0x2b: {  	v6 =	vld [tilespmem:s21+$0x4010];
	v1 =	vadd.f32 v2, v1;
	v2 =	vmul.f32 v9, v9  }
0x2c: {  	v3 =	vmul.f32 v3, v3;
	v9 =	vld [tilespmem:s21+$0x90];
	v0 =	vadd.f32 v7, v0  }
0x2d: {  	v8 =	vsub.f32 v8, v5;
	v7 =	vld [tilespmem:s21+$0x4090];
	v1 =	vadd.f32 v2, v1;
	v2 =	vmul.f32 v11, v11  }
0x2e: {  	v5 =	vmul.f32 v5, v5;
	v11 =	vld [tilespmem:s21+$0x110];
	v0 =	vadd.f32 v3, v0  }
0x2f: {  	v10 =	vsub.f32 v10, v4;
	v3 =	vld [tilespmem:s21+$0x4110];
	v1 =	vadd.f32 v2, v1;
	v2 =	vmul.f32 v8, v8  }
0x30: {  	s31 =	sadd.s32 $0x10, s22;
	v4 =	vmul.f32 v4, v4;
	v8 =	vsub.f32 v12, v6;
	v12 =	vld [tilespmem:s21+$0x190];
	v0 =	vadd.f32 v5, v0  }
0x31: {  	s24 =	sor.u32 $0x200, s31;
	v5 =	vld [tilespmem:s21+$0x4190];
	v1 =	vadd.f32 v2, v1;
	v2 =	vmul.f32 v10, v10  }
0x32: {  	v6 =	vmul.f32 v6, v6;
	v10 =	vld [tilespmem:s24+$0x0];
	v0 =	vadd.f32 v4, v0  }
0x33: {  	s25 =	sor.u32 $0x280, s31;
	v9 =	vsub.f32 v9, v7;
	v4 =	vld [tilespmem:s24+$0x4000];
	v1 =	vadd.f32 v2, v1;
	v2 =	vmul.f32 v8, v8  }
0x34: {  	s28 =	sadd.s32 $0x20, s22;
	s22 =	sadd.s32 $0x30, s22;
	v7 =	vmul.f32 v7, v7;
	v8 =	vsub.f32 v11, v3;
	v11 =	vld [tilespmem:s25+$0x0];
	v0 =	vadd.f32 v6, v0  }
0x35: {  	v6 =	vld [tilespmem:s25+$0x4000];
	s25 =	sor.u32 $0x280, s22;
	v1 =	vadd.f32 v2, v1;
	v2 =	vmul.f32 v9, v9  }
0x36: {  	s26 =	sor.u32 $0x300, s31;
	v3 =	vmul.f32 v3, v3;
	v13 =	vld [tilespmem:s25+$0x0];
	v0 =	vadd.f32 v7, v0  }
0x37: {  	v9 =	vsub.f32 v12, v5;
	v12 =	vld [tilespmem:s26+$0x0];
	v1 =	vadd.f32 v2, v1;
	v2 =	vmul.f32 v8, v8  }
0x38: {  	s23 =	sor.u32 $0x380, s31;
	v7 =	vld [tilespmem:s26+$0x4000];
	v5 =	vmul.f32 v5, v5;
	v0 =	vadd.f32 v3, v0  }
0x39: {  	v8 =	vsub.f32 v10, v4;
	v10 =	vld [tilespmem:s23+$0x0];
	v1 =	vadd.f32 v2, v1;
	v2 =	vmul.f32 v9, v9  }
0x3a: {  	v3 =	vld [tilespmem:s23+$0x4000];
	v4 =	vmul.f32 v4, v4;
	v0 =	vadd.f32 v5, v0  }
0x3b: {  	v9 =	vsub.f32 v11, v6;
	v11 =	vld [tilespmem:s21+$0x20];
	v1 =	vadd.f32 v2, v1;
	v2 =	vmul.f32 v8, v8  }
0x3c: {  	v5 =	vld [tilespmem:s21+$0x4020];
	v6 =	vmul.f32 v6, v6;
	v0 =	vadd.f32 v4, v0  }
0x3d: {  	v8 =	vsub.f32 v12, v7;
	v12 =	vld [tilespmem:s21+$0xA0];
	v1 =	vadd.f32 v2, v1;
	v2 =	vmul.f32 v9, v9  }
0x3e: {  	v4 =	vld [tilespmem:s21+$0x40A0];
	v7 =	vmul.f32 v7, v7;
	v0 =	vadd.f32 v6, v0  }
0x3f: {  	v9 =	vsub.f32 v10, v3;
	v10 =	vld [tilespmem:s21+$0x120];
	v1 =	vadd.f32 v2, v1;
	v2 =	vmul.f32 v8, v8  }
0x40: {  	v6 =	vld [tilespmem:s21+$0x4120];
	v3 =	vmul.f32 v3, v3;
	v0 =	vadd.f32 v7, v0  }
0x41: {  	v8 =	vsub.f32 v11, v5;
	v11 =	vld [tilespmem:s21+$0x1A0];
	v1 =	vadd.f32 v2, v1;
	v2 =	vmul.f32 v9, v9  }
0x42: {  	s29 =	sor.u32 $0x200, s28;
	v7 =	vld [tilespmem:s21+$0x41A0];
	v5 =	vmul.f32 v5, v5;
	v0 =	vadd.f32 v3, v0  }
0x43: {  	v9 =	vsub.f32 v12, v4;
	v12 =	vld [tilespmem:s29+$0x0];
	v1 =	vadd.f32 v2, v1;
	v2 =	vmul.f32 v8, v8  }
0x44: {  	s30 =	sor.u32 $0x280, s28;
	v3 =	vld [tilespmem:s29+$0x4000];
	v4 =	vmul.f32 v4, v4;
	v0 =	vadd.f32 v5, v0  }
0x45: {  	v8 =	vsub.f32 v10, v6;
	v10 =	vld [tilespmem:s30+$0x0];
	v1 =	vadd.f32 v2, v1;
	v2 =	vmul.f32 v9, v9  }
0x46: {  	s31 =	sor.u32 $0x300, s28;
	v5 =	vld [tilespmem:s30+$0x4000];
	v6 =	vmul.f32 v6, v6;
	v0 =	vadd.f32 v4, v0  }
0x47: {  	v9 =	vsub.f32 v11, v7;
	v11 =	vld [tilespmem:s31+$0x0];
	v1 =	vadd.f32 v2, v1;
	v2 =	vmul.f32 v8, v8  }
0x48: {  	s23 =	sor.u32 $0x380, s28;
	v4 =	vld [tilespmem:s31+$0x4000];
	v7 =	vmul.f32 v7, v7;
	v0 =	vadd.f32 v6, v0  }
0x49: {  	v8 =	vsub.f32 v12, v3;
	v12 =	vld [tilespmem:s23+$0x0];
	v1 =	vadd.f32 v2, v1;
	v2 =	vmul.f32 v9, v9  }
0x4a: {  	v6 =	vld [tilespmem:s23+$0x4000];
	v3 =	vmul.f32 v3, v3;
	v0 =	vadd.f32 v7, v0  }
0x4b: {  	v9 =	vsub.f32 v10, v5;
	v10 =	vld [tilespmem:s21+$0x30];
	v1 =	vadd.f32 v2, v1;
	v2 =	vmul.f32 v8, v8  }
0x4c: {  	v7 =	vld [tilespmem:s21+$0x4030];
	v5 =	vmul.f32 v5, v5;
	v0 =	vadd.f32 v3, v0  }
0x4d: {  	v8 =	vsub.f32 v11, v4;
	v11 =	vld [tilespmem:s21+$0xB0];
	v1 =	vadd.f32 v2, v1;
	v2 =	vmul.f32 v9, v9  }
0x4e: {  	v3 =	vld [tilespmem:s21+$0x40B0];
	v4 =	vmul.f32 v4, v4;
	v0 =	vadd.f32 v5, v0  }
0x4f: {  	v9 =	vsub.f32 v12, v6;
	v12 =	vld [tilespmem:s21+$0x130];
	v1 =	vadd.f32 v2, v1;
	v2 =	vmul.f32 v8, v8  }
0x50: {  	v5 =	vld [tilespmem:s21+$0x4130];
	v6 =	vmul.f32 v6, v6;
	v0 =	vadd.f32 v4, v0  }
0x51: {  	v8 =	vsub.f32 v10, v7;
	v10 =	vld [tilespmem:s21+$0x1B0];
	v1 =	vadd.f32 v2, v1;
	v2 =	vmul.f32 v9, v9  }
0x52: {  	s24 =	sor.u32 $0x200, s22;
	v4 =	vld [tilespmem:s21+$0x41B0];
	v7 =	vmul.f32 v7, v7;
	v0 =	vadd.f32 v6, v0  }
0x53: {  	v9 =	vsub.f32 v11, v3;
	v11 =	vld [tilespmem:s24+$0x0];
	v1 =	vadd.f32 v2, v1;
	v2 =	vmul.f32 v8, v8  }
0x54: {  	v6 =	vmul.f32 v3, v3;
	v8 =	vld [tilespmem:s24+$0x4000];
	v0 =	vadd.f32 v7, v0  }
0x55: {  	s26 =	sor.u32 $0x300, s22;
	v12 =	vsub.f32 v12, v5;
	v7 =	vmul.f32 v9, v9;
	v2 =	vadd.f32 v2, v1;
	v1 =	vld [tilespmem:s25+$0x4000]  }
0x56: {  	v3 =	vld [tilespmem:s26+$0x0];
	v9 =	vmul.f32 v5, v5;
	v14 =	vadd.f32 v6, v0  }
0x57: {  	s28 =	simm.s32 $0x40;
	s29 =	sor.u32 $0x380, s22;
	s22 =	simm.s32 $0x200;
	v12 =	vmul.f32 v12, v12;
	v15 =	vsub.f32 v10, v4;
	v0 =	vld [tilespmem:s26+$0x4000];
	v2 =	vadd.f32 v7, v2  }
0x58: {  	s30 =	sand.u32 $0x40, s28;
	s31 =	sand.u32 $0x3C00, s22;
	v5 =	vld [tilespmem:s29+$0x0];
	v6 =	vmul.f32 v4, v4;
	v10 =	vadd.f32 v9, v14  }
0x59: {  	s21 =	sor.u32 s30, s31;
	v7 =	vsub.f32 v11, v8;
	v11 =	vadd.f32 v12, v2;
	v2 =	vld [tilespmem:s29+$0x4000];
	v12 =	vmul.f32 v15, v15  }
0x5a: {  	s23 =	simm.s32 $0x80;
	v4 =	vld [tilespmem:s21+$0x0];
	v8 =	vmul.f32 v8, v8;
	v9 =	vsub.f32 v13, v1  }
.LBB2_3:
0x5b: {  	p1 =	sne.s32 s23, $0x7C0;
	v13 =	vld [tilespmem:s21+$0x4000];
	v11 =	vadd.f32 v12, v11;
	v6 =	vadd.f32 v6, v10;
	v7 =	vmul.f32 v7, v7  }
0x5c: {  	v1 =	vmul.f32 v1, v1;
	v10 =	vld [tilespmem:s21+$0x80];
	v3 =	vsub.f32 v3, v0  }
0x5d: {  	p0 =	por !p0, !p0;
	s24 =	simm.s32 $0x1;
	v12 =	vld [tilespmem:s21+$0x4080];
	v7 =	vadd.f32 v7, v11;
	v6 =	vadd.f32 v8, v6;
	v8 =	vmul.f32 v9, v9  }
0x5e: {  	s24 =	simm.s32 @!p0 $0x0;
	v0 =	vmul.f32 v0, v0;
	v9 =	vld [tilespmem:s21+$0x100];
	v5 =	vsub.f32 v5, v2  }
0x5f: {  	s24 =	sshll.u32 s24, $0x6;
	v3 =	vmul.f32 v3, v3;
	v11 =	vld [tilespmem:s21+$0x4100];
	v7 =	vadd.f32 v8, v7;
	v1 =	vadd.f32 v1, v6  }
0x60: {  	s24 =	sadd.s32 s24, s22;
	v2 =	vmul.f32 v2, v2;
	v4 =	vsub.f32 v4, v13;
	v6 =	vld [tilespmem:s21+$0x180]  }
0x61: {  	s25 =	sor.u32 $0x200, s24;
	v8 =	vld [tilespmem:s21+$0x4180];
	v3 =	vadd.f32 v3, v7;
	v0 =	vadd.f32 v0, v1;
	v1 =	vmul.f32 v5, v5  }
0x62: {  	v5 =	vmul.f32 v13, v13;
	v7 =	vsub.f32 v10, v12;
	v10 =	vld [tilespmem:s25+$0x0]  }
0x63: {  	v4 =	vmul.f32 v4, v4;
	v13 =	vld [tilespmem:s25+$0x4000];
	s25 =	sor.u32 $0x280, s24;
	v1 =	vadd.f32 v1, v3;
	v0 =	vadd.f32 v2, v0  }
0x64: {  	v2 =	vmul.f32 v12, v12;
	v3 =	vsub.f32 v9, v11;
	v9 =	vld [tilespmem:s25+$0x0]  }
0x65: {  	v1 =	vadd.f32 v4, v1;
	v0 =	vadd.f32 v5, v0;
	v4 =	vmul.f32 v7, v7;
	v5 =	vld [tilespmem:s25+$0x4000];
	s25 =	sor.u32 $0x300, s24  }
0x66: {  	v7 =	vmul.f32 v11, v11;
	v6 =	vsub.f32 v6, v8;
	v11 =	vld [tilespmem:s25+$0x0]  }
0x67: {  	v1 =	vadd.f32 v4, v1;
	v0 =	vadd.f32 v2, v0;
	v2 =	vmul.f32 v3, v3;
	v3 =	vld [tilespmem:s25+$0x4000];
	s25 =	sor.u32 $0x380, s24  }
0x68: {  	v4 =	vmul.f32 v8, v8;
	v8 =	vsub.f32 v10, v13;
	v10 =	vld [tilespmem:s25+$0x0]  }
0x69: {  	v1 =	vadd.f32 v2, v1;
	v0 =	vadd.f32 v7, v0;
	v2 =	vmul.f32 v6, v6;
	v6 =	vld [tilespmem:s25+$0x4000]  }
0x6a: {  	v7 =	vmul.f32 v13, v13;
	v9 =	vsub.f32 v9, v5;
	v12 =	vld [tilespmem:s21+$0x10]  }
0x6b: {  	v1 =	vadd.f32 v2, v1;
	v0 =	vadd.f32 v4, v0;
	v2 =	vmul.f32 v8, v8;
	v4 =	vld [tilespmem:s21+$0x4010]  }
0x6c: {  	v5 =	vmul.f32 v5, v5;
	v8 =	vsub.f32 v11, v3;
	v11 =	vld [tilespmem:s21+$0x90]  }
0x6d: {  	v1 =	vadd.f32 v2, v1;
	v0 =	vadd.f32 v7, v0;
	v2 =	vmul.f32 v9, v9;
	v7 =	vld [tilespmem:s21+$0x4090]  }
0x6e: {  	v3 =	vmul.f32 v3, v3;
	v9 =	vsub.f32 v10, v6;
	v10 =	vld [tilespmem:s21+$0x110]  }
0x6f: {  	v1 =	vadd.f32 v2, v1;
	v0 =	vadd.f32 v5, v0;
	v2 =	vmul.f32 v8, v8;
	v5 =	vld [tilespmem:s21+$0x4110]  }
0x70: {  	s25 =	sadd.s32 $0x10, s24;
	v6 =	vmul.f32 v6, v6;
	v8 =	vsub.f32 v12, v4;
	v12 =	vld [tilespmem:s21+$0x190]  }
0x71: {  	s26 =	sor.u32 $0x200, s25;
	v1 =	vadd.f32 v2, v1;
	v0 =	vadd.f32 v3, v0;
	v2 =	vmul.f32 v9, v9;
	v3 =	vld [tilespmem:s21+$0x4190]  }
0x72: {  	v4 =	vmul.f32 v4, v4;
	v9 =	vsub.f32 v11, v7;
	v11 =	vld [tilespmem:s26+$0x0]  }
0x73: {  	v1 =	vadd.f32 v2, v1;
	v0 =	vadd.f32 v6, v0;
	v2 =	vmul.f32 v8, v8;
	v6 =	vld [tilespmem:s26+$0x4000];
	s26 =	sor.u32 $0x280, s25  }
0x74: {  	v7 =	vmul.f32 v7, v7;
	v8 =	vsub.f32 v10, v5;
	v10 =	vld [tilespmem:s26+$0x0]  }
0x75: {  	v1 =	vadd.f32 v2, v1;
	v0 =	vadd.f32 v4, v0;
	v2 =	vmul.f32 v9, v9;
	v4 =	vld [tilespmem:s26+$0x4000];
	s26 =	sor.u32 $0x300, s25  }
0x76: {  	v5 =	vmul.f32 v5, v5;
	v9 =	vsub.f32 v12, v3;
	v12 =	vld [tilespmem:s26+$0x0]  }
0x77: {  	s25 =	sor.u32 $0x380, s25;
	v1 =	vadd.f32 v2, v1;
	v0 =	vadd.f32 v7, v0;
	v2 =	vmul.f32 v8, v8;
	v7 =	vld [tilespmem:s26+$0x4000]  }
0x78: {  	v3 =	vmul.f32 v3, v3;
	v8 =	vsub.f32 v11, v6;
	v11 =	vld [tilespmem:s25+$0x0]  }
0x79: {  	v1 =	vadd.f32 v2, v1;
	v0 =	vadd.f32 v5, v0;
	v2 =	vmul.f32 v9, v9;
	v5 =	vld [tilespmem:s25+$0x4000]  }
0x7a: {  	v6 =	vmul.f32 v6, v6;
	v9 =	vsub.f32 v10, v4;
	v10 =	vld [tilespmem:s21+$0x20]  }
0x7b: {  	v1 =	vadd.f32 v2, v1;
	v0 =	vadd.f32 v3, v0;
	v2 =	vmul.f32 v8, v8;
	v3 =	vld [tilespmem:s21+$0x4020]  }
0x7c: {  	v4 =	vmul.f32 v4, v4;
	v8 =	vsub.f32 v12, v7;
	v12 =	vld [tilespmem:s21+$0xA0]  }
0x7d: {  	v1 =	vadd.f32 v2, v1;
	v0 =	vadd.f32 v6, v0;
	v2 =	vmul.f32 v9, v9;
	v6 =	vld [tilespmem:s21+$0x40A0]  }
0x7e: {  	v7 =	vmul.f32 v7, v7;
	v9 =	vsub.f32 v11, v5;
	v11 =	vld [tilespmem:s21+$0x120]  }
0x7f: {  	v1 =	vadd.f32 v2, v1;
	v0 =	vadd.f32 v4, v0;
	v2 =	vmul.f32 v8, v8;
	v4 =	vld [tilespmem:s21+$0x4120]  }
0x80: {  	s25 =	sadd.s32 $0x20, s24;
	v5 =	vmul.f32 v5, v5;
	v8 =	vsub.f32 v10, v3;
	v10 =	vld [tilespmem:s21+$0x1A0]  }
0x81: {  	s26 =	sor.u32 $0x200, s25;
	v1 =	vadd.f32 v2, v1;
	v0 =	vadd.f32 v7, v0;
	v2 =	vmul.f32 v9, v9;
	v7 =	vld [tilespmem:s21+$0x41A0]  }
0x82: {  	v3 =	vmul.f32 v3, v3;
	v9 =	vsub.f32 v12, v6;
	v12 =	vld [tilespmem:s26+$0x0]  }
0x83: {  	v1 =	vadd.f32 v2, v1;
	v0 =	vadd.f32 v5, v0;
	v2 =	vmul.f32 v8, v8;
	v5 =	vld [tilespmem:s26+$0x4000];
	s26 =	sor.u32 $0x280, s25  }
0x84: {  	v6 =	vmul.f32 v6, v6;
	v8 =	vsub.f32 v11, v4;
	v11 =	vld [tilespmem:s26+$0x0]  }
0x85: {  	v1 =	vadd.f32 v2, v1;
	v0 =	vadd.f32 v3, v0;
	v2 =	vmul.f32 v9, v9;
	v3 =	vld [tilespmem:s26+$0x4000];
	s26 =	sor.u32 $0x300, s25  }
0x86: {  	v4 =	vmul.f32 v4, v4;
	v9 =	vsub.f32 v10, v7;
	v10 =	vld [tilespmem:s26+$0x0]  }
0x87: {  	s25 =	sor.u32 $0x380, s25;
	v1 =	vadd.f32 v2, v1;
	v0 =	vadd.f32 v6, v0;
	v2 =	vmul.f32 v8, v8;
	v6 =	vld [tilespmem:s26+$0x4000]  }
0x88: {  	v7 =	vmul.f32 v7, v7;
	v8 =	vsub.f32 v12, v5;
	v12 =	vld [tilespmem:s25+$0x0]  }
0x89: {  	v1 =	vadd.f32 v2, v1;
	v0 =	vadd.f32 v4, v0;
	v2 =	vmul.f32 v9, v9;
	v4 =	vld [tilespmem:s25+$0x4000]  }
0x8a: {  	v5 =	vmul.f32 v5, v5;
	v9 =	vsub.f32 v11, v3;
	v11 =	vld [tilespmem:s21+$0x30]  }
0x8b: {  	v1 =	vadd.f32 v2, v1;
	v0 =	vadd.f32 v7, v0;
	v2 =	vmul.f32 v8, v8;
	v7 =	vld [tilespmem:s21+$0x4030]  }
0x8c: {  	v3 =	vmul.f32 v3, v3;
	v8 =	vsub.f32 v10, v6;
	v10 =	vld [tilespmem:s21+$0xB0]  }
0x8d: {  	v1 =	vadd.f32 v2, v1;
	v0 =	vadd.f32 v5, v0;
	v2 =	vmul.f32 v9, v9;
	v5 =	vld [tilespmem:s21+$0x40B0]  }
0x8e: {  	v6 =	vmul.f32 v6, v6;
	v9 =	vsub.f32 v12, v4;
	v12 =	vld [tilespmem:s21+$0x130]  }
0x8f: {  	v1 =	vadd.f32 v2, v1;
	v0 =	vadd.f32 v3, v0;
	v2 =	vmul.f32 v8, v8;
	v3 =	vld [tilespmem:s21+$0x4130]  }
0x90: {  	s24 =	sadd.s32 $0x30, s24;
	v4 =	vmul.f32 v4, v4;
	v8 =	vsub.f32 v11, v7;
	v11 =	vld [tilespmem:s21+$0x1B0]  }
0x91: {  	v1 =	vadd.f32 v2, v1;
	v0 =	vadd.f32 v6, v0;
	v2 =	vmul.f32 v9, v9;
	v6 =	vld [tilespmem:s21+$0x41B0];
	s21 =	sor.u32 $0x200, s24  }
0x92: {  	v7 =	vmul.f32 v7, v7;
	v9 =	vsub.f32 v10, v5;
	v10 =	vld [tilespmem:s21+$0x0]  }
0x93: {  	v1 =	vadd.f32 v2, v1;
	v0 =	vadd.f32 v4, v0;
	v2 =	vmul.f32 v8, v8;
	v8 =	vld [tilespmem:s21+$0x4000];
	s21 =	sor.u32 $0x280, s24  }
0x94: {  	v4 =	vmul.f32 v5, v5;
	v5 =	vsub.f32 v12, v3;
	v13 =	vld [tilespmem:s21+$0x0]  }
0x95: {  	v2 =	vadd.f32 v2, v1;
	v0 =	vadd.f32 v7, v0;
	v7 =	vmul.f32 v9, v9;
	v1 =	vld [tilespmem:s21+$0x4000];
	s21 =	sor.u32 $0x300, s24  }
.Ltmp0:
0x96: {  	v9 =	vmul.f32 v3, v3;
	v12 =	vsub.f32 v11, v6;
	v3 =	vld [tilespmem:s21+$0x0];
	(pc) =	sbr.rel @p1 .LBB2_3-.Ltmp0, $4  }
0x97: {  	s22 =	sadd.s32 $0x200, s22;
	s24 =	sor.u32 $0x380, s24;
	v11 =	vmul.f32 v5, v5;
	v2 =	vadd.f32 v7, v2;
	v4 =	vadd.f32 v4, v0;
	v0 =	vld [tilespmem:s21+$0x4000]  }
0x98: {  	s25 =	sand.u32 $0x3C00, s22;
	v6 =	vmul.f32 v6, v6;
	s21 =	sand.u32 $0x40, s23;
	v7 =	vsub.f32 v10, v8;
	v5 =	vld [tilespmem:s24+$0x0]  }
0x99: {  	s21 =	sor.u32 s21, s25;
	v12 =	vmul.f32 v12, v12;
	v11 =	vadd.f32 v11, v2;
	v10 =	vadd.f32 v9, v4;
	v2 =	vld [tilespmem:s24+$0x4000]  }
0x9a: {  	s23 =	sadd.s32 $0x40, s23;
	v8 =	vmul.f32 v8, v8;
	v4 =	vld [tilespmem:s21+$0x0];
	v9 =	vsub.f32 v13, v1  }
0x9b: {  	v13 =	vld [tilespmem:s21+$0x4000]  }
0x9c: {  	v14 =	vld [tilespmem:s21+$0x80]  }
0x9d: {  	v15 =	vld [tilespmem:s21+$0x4080]  }
0x9e: {  	v16 =	vld [tilespmem:s21+$0x100]  }
0x9f: {  	p0 =	por !p0, !p0;
	s23 =	simm.s32 $0x1;
	v17 =	vld [tilespmem:s21+$0x4100]  }
0xa0: {  	v18 =	vld [tilespmem:s21+$0x180];
	s23 =	simm.s32 @!p0 $0x0  }
0xa1: {  	v19 =	vld [tilespmem:s21+$0x4180];
	s23 =	sshll.u32 s23, $0x6  }
0xa2: {  	v11 =	vadd.f32 v12, v11;
	v7 =	vmul.f32 v7, v7;
	v49 =	vld [tilespmem:s21+$0x4110];
	s22 =	sadd.s32 s23, s22  }
0xa3: {  	v6 =	vadd.f32 v6, v10;
	v50 =	vld [tilespmem:s21+$0x4190];
	s23 =	sor.u32 $0x200, s22  }
0xa4: {  	v3 =	vsub.f32 v3, v0;
	v9 =	vmul.f32 v9, v9;
	v7 =	vadd.f32 v7, v11;
	v20 =	vld [tilespmem:s23+$0x0]  }
0xa5: {  	v1 =	vmul.f32 v1, v1;
	v6 =	vadd.f32 v8, v6;
	s31 =	sor.u32 $0x280, s22;
	v12 =	vld [tilespmem:s23+$0x4000]  }
0xa6: {  	v5 =	vsub.f32 v5, v2;
	v3 =	vmul.f32 v3, v3;
	v7 =	vadd.f32 v9, v7;
	v10 =	vld [tilespmem:s31+$0x0]  }
0xa7: {  	v0 =	vmul.f32 v0, v0;
	s24 =	sor.u32 $0x300, s22;
	v1 =	vadd.f32 v1, v6;
	v11 =	vld [tilespmem:s31+$0x4000]  }
0xa8: {  	v8 =	vld [tilespmem:s24+$0x0];
	v4 =	vsub.f32 v4, v13;
	v5 =	vmul.f32 v5, v5;
	v3 =	vadd.f32 v3, v7  }
0xa9: {  	v2 =	vmul.f32 v2, v2;
	s25 =	sor.u32 $0x380, s22;
	v9 =	vld [tilespmem:s24+$0x4000];
	v0 =	vadd.f32 v0, v1  }
0xaa: {  	v6 =	vld [tilespmem:s25+$0x0];
	v14 =	vsub.f32 v14, v15;
	v4 =	vmul.f32 v4, v4;
	v3 =	vadd.f32 v5, v3  }
0xab: {  	s26 =	sadd.s32 $0x10, s22;
	v13 =	vmul.f32 v13, v13;
	v7 =	vld [tilespmem:s25+$0x4000];
	v0 =	vadd.f32 v2, v0  }
0xac: {  	v16 =	vsub.f32 v16, v17;
	s24 =	sor.u32 $0x200, s26;
	v1 =	vld [tilespmem:s21+$0x10];
	v3 =	vadd.f32 v4, v3;
	v4 =	vmul.f32 v14, v14  }
0xad: {  	v15 =	vmul.f32 v15, v15;
	v51 =	vld [tilespmem:s24+$0x0];
	v0 =	vadd.f32 v13, v0  }
0xae: {  	s30 =	sadd.s32 $0x20, s22;
	v18 =	vsub.f32 v18, v19;
	s28 =	sor.u32 $0x280, s26;
	v52 =	vld [tilespmem:s24+$0x4000];
	v3 =	vadd.f32 v4, v3;
	v4 =	vmul.f32 v16, v16  }
0xaf: {  	v17 =	vmul.f32 v17, v17;
	s31 =	sor.u32 $0x200, s30;
	v53 =	vld [tilespmem:s28+$0x0];
	v0 =	vadd.f32 v15, v0  }
0xb0: {  	v54 =	vld [tilespmem:s31+$0x0];
	v20 =	vsub.f32 v20, v12;
	v3 =	vadd.f32 v4, v3;
	v4 =	vmul.f32 v18, v18  }
0xb1: {  	v19 =	vmul.f32 v19, v19;
	s29 =	sor.u32 $0x300, s26;
	s23 =	sor.u32 $0x380, s26;
	s26 =	sor.u32 $0x300, s30;
	v55 =	vld [tilespmem:s31+$0x4000];
	v0 =	vadd.f32 v17, v0  }
0xb2: {  	v58 =	vld [tilespmem:s26+$0x0];
	v10 =	vsub.f32 v10, v11;
	v3 =	vadd.f32 v4, v3;
	v4 =	vmul.f32 v20, v20  }
0xb3: {  	v5 =	vld [tilespmem:s21+$0x4010];
	v12 =	vmul.f32 v12, v12;
	v0 =	vadd.f32 v19, v0  }
0xb4: {  	v2 =	vld [tilespmem:s21+$0x90];
	v8 =	vsub.f32 v8, v9;
	v3 =	vadd.f32 v4, v3;
	v4 =	vmul.f32 v10, v10  }
0xb5: {  	s25 =	sor.u32 $0x280, s30;
	v14 =	vld [tilespmem:s21+$0x4090];
	v11 =	vmul.f32 v11, v11;
	v0 =	vadd.f32 v12, v0  }
0xb6: {  	v56 =	vld [tilespmem:s25+$0x0];
	v6 =	vsub.f32 v6, v7;
	v3 =	vadd.f32 v4, v3;
	v4 =	vmul.f32 v8, v8  }
0xb7: {  	v13 =	vld [tilespmem:s21+$0x110];
	v9 =	vmul.f32 v9, v9;
	v0 =	vadd.f32 v11, v0  }
0xb8: {  	s22 =	sadd.s32 $0x30, s22;
	v57 =	vld [tilespmem:s25+$0x4000];
	v1 =	vsub.f32 v1, v5;
	v3 =	vadd.f32 v4, v3;
	v4 =	vmul.f32 v6, v6  }
0xb9: {  	s31 =	sor.u32 $0x380, s22;
	v7 =	vmul.f32 v7, v7;
	v15 =	vld [tilespmem:s21+$0x190];
	v0 =	vadd.f32 v9, v0  }
0xba: {  	v63 =	vld [tilespmem:s31+$0x0];
	v2 =	vsub.f32 v2, v14;
	v1 =	vmul.f32 v1, v1;
	v3 =	vadd.f32 v4, v3  }
0xbb: {  	v5 =	vmul.f32 v5, v5;
	v10 =	vld [tilespmem:s28+$0x4000];
	v0 =	vadd.f32 v7, v0  }
0xbc: {  	v13 =	vsub.f32 v13, v49;
	v2 =	vmul.f32 v2, v2;
	v12 =	vld [tilespmem:s29+$0x0];
	s28 =	sor.u32 $0x200, s22;
	v1 =	vadd.f32 v1, v3  }
0xbd: {  	v14 =	vmul.f32 v14, v14;
	v59 =	vld [tilespmem:s28+$0x4000];
	v0 =	vadd.f32 v5, v0  }
0xbe: {  	v15 =	vsub.f32 v15, v50;
	v8 =	vld [tilespmem:s29+$0x4000];
	v1 =	vadd.f32 v2, v1;
	v2 =	vmul.f32 v13, v13  }
0xbf: {  	v16 =	vmul.f32 v49, v49;
	v11 =	vld [tilespmem:s23+$0x0];
	s29 =	sor.u32 $0x280, s22;
	v0 =	vadd.f32 v14, v0  }
0xc0: {  	v17 =	vsub.f32 v51, v52;
	v60 =	vld [tilespmem:s29+$0x4000];
	v1 =	vadd.f32 v2, v1;
	v2 =	vmul.f32 v15, v15  }
0xc1: {  	v18 =	vmul.f32 v50, v50;
	v6 =	vld [tilespmem:s23+$0x4000];
	v0 =	vadd.f32 v16, v0  }
0xc2: {  	v9 =	vld [tilespmem:s21+$0x20];
	v19 =	vsub.f32 v53, v10;
	v1 =	vadd.f32 v2, v1;
	v2 =	vmul.f32 v17, v17  }
0xc3: {  	v20 =	vmul.f32 v52, v52;
	v4 =	vld [tilespmem:s21+$0x4020];
	v0 =	vadd.f32 v18, v0  }
0xc4: {  	v7 =	vld [tilespmem:s21+$0xA0];
	v12 =	vsub.f32 v12, v8;
	v1 =	vadd.f32 v2, v1;
	v2 =	vmul.f32 v19, v19  }
0xc5: {  	v10 =	vmul.f32 v10, v10;
	v3 =	vld [tilespmem:s21+$0x40A0];
	v0 =	vadd.f32 v20, v0  }
0xc6: {  	v5 =	vld [tilespmem:s21+$0x120];
	v11 =	vsub.f32 v11, v6;
	v1 =	vadd.f32 v2, v1;
	v2 =	vmul.f32 v12, v12  }
0xc7: {  	v8 =	vmul.f32 v8, v8;
	v13 =	vld [tilespmem:s21+$0x4120];
	v0 =	vadd.f32 v10, v0  }
0xc8: {  	v14 =	vld [tilespmem:s21+$0x1A0];
	v9 =	vsub.f32 v9, v4;
	v1 =	vadd.f32 v2, v1;
	v2 =	vmul.f32 v11, v11  }
0xc9: {  	s23 =	sor.u32 $0x380, s30;
	s30 =	sor.u32 $0x300, s22;
	v6 =	vmul.f32 v6, v6;
	v15 =	vld [tilespmem:s21+$0x41A0];
	v0 =	vadd.f32 v8, v0  }
0xca: {  	v61 =	vld [tilespmem:s30+$0x0];
	v7 =	vsub.f32 v7, v3;
	v1 =	vadd.f32 v2, v1;
	v2 =	vmul.f32 v9, v9  }
0xcb: {  	v62 =	vld [tilespmem:s30+$0x4000];
	v4 =	vmul.f32 v4, v4;
	v0 =	vadd.f32 v6, v0  }
0xcc: {  	v5 =	vsub.f32 v5, v13;
	v12 =	vld [tilespmem:s26+$0x4000];
	v1 =	vadd.f32 v2, v1;
	v2 =	vmul.f32 v7, v7  }
0xcd: {  	v3 =	vmul.f32 v3, v3;
	v10 =	vld [tilespmem:s23+$0x0];
	v0 =	vadd.f32 v4, v0  }
0xce: {  	v14 =	vsub.f32 v14, v15;
	v11 =	vld [tilespmem:s23+$0x4000];
	v1 =	vadd.f32 v2, v1;
	v2 =	vmul.f32 v5, v5  }
0xcf: {  	v13 =	vmul.f32 v13, v13;
	v8 =	vld [tilespmem:s21+$0x30];
	v0 =	vadd.f32 v3, v0  }
0xd0: {  	v16 =	vsub.f32 v54, v55;
	v9 =	vld [tilespmem:s21+$0x4030];
	v1 =	vadd.f32 v2, v1;
	v2 =	vmul.f32 v14, v14  }
0xd1: {  	v15 =	vmul.f32 v15, v15;
	v6 =	vld [tilespmem:s21+$0xB0];
	v0 =	vadd.f32 v13, v0  }
0xd2: {  	v18 =	vsub.f32 v56, v57;
	v7 =	vld [tilespmem:s21+$0x40B0];
	v1 =	vadd.f32 v2, v1;
	v2 =	vmul.f32 v16, v16  }
0xd3: {  	v17 =	vmul.f32 v55, v55;
	v4 =	vld [tilespmem:s21+$0x130];
	v0 =	vadd.f32 v15, v0  }
0xd4: {  	v20 =	vsub.f32 v58, v12;
	v5 =	vld [tilespmem:s21+$0x4130];
	v1 =	vadd.f32 v2, v1;
	v2 =	vmul.f32 v18, v18  }
0xd5: {  	v19 =	vmul.f32 v57, v57;
	v3 =	vld [tilespmem:s21+$0x1B0];
	v0 =	vadd.f32 v17, v0  }
0xd6: {  	v10 =	vsub.f32 v10, v11;
	v14 =	vld [tilespmem:s21+$0x41B0];
	v1 =	vadd.f32 v2, v1;
	v2 =	vmul.f32 v20, v20  }
0xd7: {  	v12 =	vmul.f32 v12, v12;
	v13 =	vld [tilespmem:s28+$0x0];
	v0 =	vadd.f32 v19, v0  }
0xd8: {  	v15 =	vld [tilespmem:s29+$0x0];
	v1 =	vadd.f32 v2, v1;
	v2 =	vmul.f32 v10, v10  }
0xd9: {  	v11 =	vmul.f32 v11, v11;
	v8 =	vsub.f32 v8, v9;
	v10 =	vld [tilespmem:s31+$0x4000];
	v0 =	vadd.f32 v12, v0;
	_ =	swait.ge [sflag:s15], $0x4000  }
0xda: {  	v6 =	vsub.f32 v6, v7;
	[sflag:s15] =	ssyncset.done $0x0;
	v1 =	vadd.f32 v2, v1  }
0xdb: {  	s20 =	sadd.s32 s20, s8;
	v2 =	vmul.f32 v8, v8;
	v0 =	vadd.f32 v11, v0;
	v8 =	vmul.f32 v9, v9;
	[sflag:s15] =	ssyncadd.s32 $0xFFFFC000  }
0xdc: {  	s20 =	smin.u32 s20, $0x7FF8;
	v6 =	vmul.f32 v6, v6;
	v4 =	vsub.f32 v4, v5;
	_ =	swait.ge [sflag:s15], $0x4000  }
0xdd: {  	s20 =	sshll.u32 s20, $0x8;
	v1 =	vadd.f32 v2, v1;
	v0 =	vadd.f32 v8, v0;
	v2 =	vmul.f32 v7, v7;
	[sflag:s15] =	ssyncset.done $0x0  }
0xde: {  	s22 =	sadd.s32 s1, s20;
	s23 =	simm.s32 $0x0;
	v3 =	vsub.f32 v3, v14;
	v4 =	vmul.f32 v4, v4;
	[sflag:s15] =	ssyncadd.s32 $0xFFFFC000  }
0xdf: {  	v1 =	vadd.f32 v6, v1;
	v0 =	vadd.f32 v2, v0;
	[tilespmem:s23], [sflag:$0x1] =	stream.linear.gather [hbm4b:s22+s23], $0x4000, $0x38;
	v2 =	vmul.f32 v5, v5;
	[tilespmem:$0x10080] =	vst v63  }
0xe0: {  	s20 =	sadd.s32 s3, s20;
	s24 =	sand.u32 $0x40, s23;
	s25 =	sand.u32 $0x3C00, s23;
	v5 =	vmul.f32 v14, v14;
	v6 =	vsub.f32 v13, v59  }
0xe1: {  	[tilespmem:s11], [sflag:$0x1] =	stream.linear.gather [hbm4b:s20+s23], $0x4000, $0x38;
	v1 =	vadd.f32 v4, v1;
	v0 =	vadd.f32 v2, v0;
	v2 =	vmul.f32 v3, v3;
	[tilespmem:$0x10080] =	vst v63  }
0xe2: {  	v3 =	vmul.f32 v59, v59;
	v4 =	vsub.f32 v15, v60;
	s20 =	sor.u32 s24, s25  }
0xe3: {  	v8 =	vld [tilespmem:s20+$0xC000];
	v1 =	vadd.f32 v2, v1;
	v0 =	vadd.f32 v5, v0;
	v2 =	vmul.f32 v6, v6  }
0xe4: {  	v7 =	vsub.f32 v61, v62;
	v11 =	vld [tilespmem:s20+$0xC080];
	v6 =	vmul.f32 v60, v60  }
0xe5: {  	v5 =	vld [tilespmem:s20+$0x8000];
	v1 =	vadd.f32 v2, v1;
	v0 =	vadd.f32 v3, v0;
	v2 =	vmul.f32 v4, v4  }
0xe6: {  	p0 =	por $0x0, $0x0;
	s21 =	simm.s32 $0x1;
	v9 =	vsub.f32 v63, v10;
	v3 =	vld [tilespmem:s20+$0x8080];
	v4 =	vmul.f32 v62, v62  }
0xe7: {  	s21 =	simm.s32 @!p0 $0x0;
	v1 =	vadd.f32 v2, v1;
	v0 =	vadd.f32 v6, v0;
	v2 =	vmul.f32 v7, v7;
	v6 =	vld [tilespmem:s20+$0x8100]  }
0xe8: {  	s21 =	sshll.u32 s21, $0x6;
	v7 =	vmul.f32 v10, v10;
	v10 =	vld [tilespmem:s20+$0xC100]  }
0xe9: {  	s21 =	sadd.s32 $0x0, s21;
	v1 =	vadd.f32 v2, v1;
	v0 =	vadd.f32 v4, v0;
	v2 =	vmul.f32 v9, v9;
	v4 =	vld [tilespmem:s20+$0x8180]  }
0xea: {  	s26 =	sor.u32 $0x200, s21;
	v5 =	vsub.f32 v5, v8;
	v9 =	vld [tilespmem:s20+$0xC180]  }
0xeb: {  	v3 =	vsub.f32 v3, v11;
	v1 =	vadd.f32 v2, v1;
	v2 =	vld [tilespmem:s26+$0x8000]  }
0xec: {  	s28 =	sor.u32 $0x280, s21;
	v5 =	vmul.f32 v5, v5;
	v0 =	vadd.f32 v7, v0;
	v7 =	vmul.f32 v8, v8;
	v8 =	vld [tilespmem:s26+$0xC000]  }
0xed: {  	v12 =	vld [tilespmem:s28+$0x8000];
	v11 =	vmul.f32 v11, v11;
	v6 =	vsub.f32 v6, v10  }
0xee: {  	s29 =	sor.u32 $0x300, s21;
	v3 =	vmul.f32 v3, v3;
	v1 =	vadd.f32 v5, v1;
	v0 =	vadd.f32 v7, v0;
	v5 =	vld [tilespmem:s28+$0xC000]  }
0xef: {  	v7 =	vmul.f32 v10, v10;
	v10 =	vld [tilespmem:s29+$0x8000];
	v4 =	vsub.f32 v4, v9  }
0xf0: {  	s30 =	sor.u32 $0x380, s21;
	v1 =	vadd.f32 v3, v1;
	v0 =	vadd.f32 v11, v0;
	v3 =	vmul.f32 v6, v6;
	v6 =	vld [tilespmem:s29+$0xC000]  }
0xf1: {  	v9 =	vmul.f32 v9, v9;
	v11 =	vld [tilespmem:s30+$0x8000];
	v2 =	vsub.f32 v2, v8  }
0xf2: {  	v1 =	vadd.f32 v3, v1;
	v0 =	vadd.f32 v7, v0;
	v3 =	vmul.f32 v4, v4;
	v4 =	vld [tilespmem:s30+$0xC000]  }
0xf3: {  	v7 =	vmul.f32 v8, v8;
	v8 =	vsub.f32 v12, v5;
	v12 =	vld [tilespmem:s20+$0x8010]  }
0xf4: {  	v2 =	vmul.f32 v2, v2;
	v1 =	vadd.f32 v3, v1;
	v0 =	vadd.f32 v9, v0;
	v3 =	vld [tilespmem:s20+$0xC010]  }
0xf5: {  	v5 =	vmul.f32 v5, v5;
	v9 =	vsub.f32 v10, v6;
	v10 =	vld [tilespmem:s20+$0x8090]  }
0xf6: {  	v1 =	vadd.f32 v2, v1;
	v0 =	vadd.f32 v7, v0;
	v2 =	vmul.f32 v8, v8;
	v7 =	vld [tilespmem:s20+$0xC090]  }
0xf7: {  	v6 =	vmul.f32 v6, v6;
	v8 =	vsub.f32 v11, v4;
	v11 =	vld [tilespmem:s20+$0x8110]  }
0xf8: {  	v1 =	vadd.f32 v2, v1;
	v0 =	vadd.f32 v5, v0;
	v2 =	vmul.f32 v9, v9;
	v5 =	vld [tilespmem:s20+$0xC110]  }
0xf9: {  	s31 =	sadd.s32 $0x10, s21;
	v4 =	vmul.f32 v4, v4;
	v9 =	vsub.f32 v12, v3;
	v12 =	vld [tilespmem:s20+$0x8190]  }
0xfa: {  	s24 =	sor.u32 $0x200, s31;
	v1 =	vadd.f32 v2, v1;
	v0 =	vadd.f32 v6, v0;
	v2 =	vmul.f32 v8, v8;
	v6 =	vld [tilespmem:s20+$0xC190]  }
0xfb: {  	v3 =	vmul.f32 v3, v3;
	v8 =	vsub.f32 v10, v7;
	v10 =	vld [tilespmem:s24+$0x8000]  }
0xfc: {  	s25 =	sor.u32 $0x280, s31;
	v1 =	vadd.f32 v2, v1;
	v0 =	vadd.f32 v4, v0;
	v2 =	vmul.f32 v9, v9;
	v4 =	vld [tilespmem:s24+$0xC000]  }
0xfd: {  	v7 =	vmul.f32 v7, v7;
	v9 =	vsub.f32 v11, v5;
	v11 =	vld [tilespmem:s25+$0x8000]  }
0xfe: {  	s26 =	sor.u32 $0x300, s31;
	v1 =	vadd.f32 v2, v1;
	v0 =	vadd.f32 v3, v0;
	v2 =	vmul.f32 v8, v8;
	v3 =	vld [tilespmem:s25+$0xC000]  }
0xff: {  	v5 =	vmul.f32 v5, v5;
	v8 =	vsub.f32 v12, v6;
	v12 =	vld [tilespmem:s26+$0x8000]  }
0x100: {  	s22 =	sor.u32 $0x380, s31;
	v1 =	vadd.f32 v2, v1;
	v0 =	vadd.f32 v7, v0;
	v2 =	vmul.f32 v9, v9;
	v7 =	vld [tilespmem:s26+$0xC000]  }
0x101: {  	v6 =	vmul.f32 v6, v6;
	v9 =	vsub.f32 v10, v4;
	v10 =	vld [tilespmem:s22+$0x8000]  }
0x102: {  	v1 =	vadd.f32 v2, v1;
	v0 =	vadd.f32 v5, v0;
	v2 =	vmul.f32 v8, v8;
	v5 =	vld [tilespmem:s22+$0xC000]  }
0x103: {  	v4 =	vmul.f32 v4, v4;
	v8 =	vsub.f32 v11, v3;
	v11 =	vld [tilespmem:s20+$0x8020]  }
0x104: {  	v1 =	vadd.f32 v2, v1;
	v0 =	vadd.f32 v6, v0;
	v2 =	vmul.f32 v9, v9;
	v6 =	vld [tilespmem:s20+$0xC020]  }
0x105: {  	v3 =	vmul.f32 v3, v3;
	v9 =	vsub.f32 v12, v7;
	v12 =	vld [tilespmem:s20+$0x80A0]  }
0x106: {  	v1 =	vadd.f32 v2, v1;
	v0 =	vadd.f32 v4, v0;
	v2 =	vmul.f32 v8, v8;
	v4 =	vld [tilespmem:s20+$0xC0A0]  }
0x107: {  	v7 =	vmul.f32 v7, v7;
	v8 =	vsub.f32 v10, v5;
	v10 =	vld [tilespmem:s20+$0x8120]  }
0x108: {  	v1 =	vadd.f32 v2, v1;
	v0 =	vadd.f32 v3, v0;
	v2 =	vmul.f32 v9, v9;
	v3 =	vld [tilespmem:s20+$0xC120]  }
0x109: {  	s28 =	sadd.s32 $0x20, s21;
	v5 =	vmul.f32 v5, v5;
	v9 =	vsub.f32 v11, v6;
	v11 =	vld [tilespmem:s20+$0x81A0]  }
0x10a: {  	s29 =	sor.u32 $0x200, s28;
	v1 =	vadd.f32 v2, v1;
	v0 =	vadd.f32 v7, v0;
	v2 =	vmul.f32 v8, v8;
	v7 =	vld [tilespmem:s20+$0xC1A0]  }
0x10b: {  	v6 =	vmul.f32 v6, v6;
	v8 =	vsub.f32 v12, v4;
	v12 =	vld [tilespmem:s29+$0x8000]  }
0x10c: {  	s30 =	sor.u32 $0x280, s28;
	v1 =	vadd.f32 v2, v1;
	v0 =	vadd.f32 v5, v0;
	v2 =	vmul.f32 v9, v9;
	v5 =	vld [tilespmem:s29+$0xC000]  }
0x10d: {  	v4 =	vmul.f32 v4, v4;
	v9 =	vsub.f32 v10, v3;
	v10 =	vld [tilespmem:s30+$0x8000]  }
0x10e: {  	s31 =	sor.u32 $0x300, s28;
	v1 =	vadd.f32 v2, v1;
	v0 =	vadd.f32 v6, v0;
	v2 =	vmul.f32 v8, v8;
	v6 =	vld [tilespmem:s30+$0xC000]  }
0x10f: {  	v3 =	vmul.f32 v3, v3;
	v8 =	vsub.f32 v11, v7;
	v11 =	vld [tilespmem:s31+$0x8000]  }
0x110: {  	s22 =	sor.u32 $0x380, s28;
	v1 =	vadd.f32 v2, v1;
	v0 =	vadd.f32 v4, v0;
	v2 =	vmul.f32 v9, v9;
	v4 =	vld [tilespmem:s31+$0xC000]  }
0x111: {  	v7 =	vmul.f32 v7, v7;
	v9 =	vsub.f32 v12, v5;
	v12 =	vld [tilespmem:s22+$0x8000]  }
0x112: {  	v1 =	vadd.f32 v2, v1;
	v0 =	vadd.f32 v3, v0;
	v2 =	vmul.f32 v8, v8;
	v3 =	vld [tilespmem:s22+$0xC000]  }
0x113: {  	v5 =	vmul.f32 v5, v5;
	v8 =	vsub.f32 v10, v6;
	v10 =	vld [tilespmem:s20+$0x8030]  }
0x114: {  	v1 =	vadd.f32 v2, v1;
	v0 =	vadd.f32 v7, v0;
	v2 =	vmul.f32 v9, v9;
	v7 =	vld [tilespmem:s20+$0xC030]  }
0x115: {  	v6 =	vmul.f32 v6, v6;
	v9 =	vsub.f32 v11, v4;
	v11 =	vld [tilespmem:s20+$0x80B0]  }
0x116: {  	v1 =	vadd.f32 v2, v1;
	v0 =	vadd.f32 v5, v0;
	v2 =	vmul.f32 v8, v8;
	v5 =	vld [tilespmem:s20+$0xC0B0]  }
0x117: {  	v4 =	vmul.f32 v4, v4;
	v8 =	vsub.f32 v12, v3;
	v12 =	vld [tilespmem:s20+$0x8130]  }
0x118: {  	v1 =	vadd.f32 v2, v1;
	v0 =	vadd.f32 v6, v0;
	v2 =	vmul.f32 v9, v9;
	v6 =	vld [tilespmem:s20+$0xC130]  }
0x119: {  	s21 =	sadd.s32 $0x30, s21;
	v3 =	vmul.f32 v3, v3;
	v9 =	vsub.f32 v10, v7;
	v10 =	vld [tilespmem:s20+$0x81B0]  }
0x11a: {  	s24 =	sor.u32 $0x200, s21;
	v1 =	vadd.f32 v2, v1;
	v0 =	vadd.f32 v4, v0;
	v2 =	vmul.f32 v8, v8;
	v4 =	vld [tilespmem:s20+$0xC1B0]  }
0x11b: {  	v7 =	vmul.f32 v7, v7;
	v8 =	vsub.f32 v11, v5;
	v11 =	vld [tilespmem:s24+$0x8000]  }
0x11c: {  	s25 =	sor.u32 $0x280, s21;
	v1 =	vadd.f32 v2, v1;
	v0 =	vadd.f32 v3, v0;
	v2 =	vmul.f32 v9, v9;
	v9 =	vld [tilespmem:s24+$0xC000]  }
0x11d: {  	v13 =	vld [tilespmem:s25+$0x8000];
	v5 =	vmul.f32 v5, v5;
	v12 =	vsub.f32 v12, v6  }
0x11e: {  	s26 =	sor.u32 $0x300, s21;
	v2 =	vadd.f32 v2, v1;
	v0 =	vadd.f32 v7, v0;
	v7 =	vmul.f32 v8, v8;
	v1 =	vld [tilespmem:s25+$0xC000]  }
0x11f: {  	v3 =	vld [tilespmem:s26+$0x8000];
	v8 =	vmul.f32 v6, v6;
	v15 =	vsub.f32 v10, v4  }
0x120: {  	s28 =	simm.s32 $0x40;
	s29 =	sor.u32 $0x380, s21;
	s21 =	simm.s32 $0x200;
	v12 =	vmul.f32 v12, v12;
	v2 =	vadd.f32 v7, v2;
	v14 =	vadd.f32 v5, v0;
	v0 =	vld [tilespmem:s26+$0xC000]  }
0x121: {  	s30 =	sand.u32 $0x40, s28;
	s31 =	sand.u32 $0x3C00, s21;
	v5 =	vld [tilespmem:s29+$0x8000];
	v7 =	vmul.f32 v4, v4;
	v6 =	vsub.f32 v11, v9  }
0x122: {  	s20 =	sor.u32 s30, s31;
	v10 =	vadd.f32 v12, v2;
	v11 =	vadd.f32 v8, v14;
	v2 =	vld [tilespmem:s29+$0xC000];
	v12 =	vmul.f32 v15, v15  }
0x123: {  	s22 =	simm.s32 $0x80;
	v4 =	vld [tilespmem:s20+$0x8000];
	v8 =	vmul.f32 v9, v9;
	v9 =	vsub.f32 v13, v1  }
.LBB2_5:
0x124: {  	p1 =	sne.s32 s22, $0x7C0;
	v13 =	vld [tilespmem:s20+$0xC000];
	v10 =	vadd.f32 v12, v10;
	v7 =	vadd.f32 v7, v11;
	v6 =	vmul.f32 v6, v6  }
0x125: {  	v1 =	vmul.f32 v1, v1;
	v11 =	vld [tilespmem:s20+$0x8080];
	v3 =	vsub.f32 v3, v0  }
0x126: {  	p0 =	por !p0, !p0;
	s23 =	simm.s32 $0x1;
	v12 =	vld [tilespmem:s20+$0xC080];
	v6 =	vadd.f32 v6, v10;
	v7 =	vadd.f32 v8, v7;
	v8 =	vmul.f32 v9, v9  }
0x127: {  	s23 =	simm.s32 @!p0 $0x0;
	v0 =	vmul.f32 v0, v0;
	v9 =	vld [tilespmem:s20+$0x8100];
	v5 =	vsub.f32 v5, v2  }
0x128: {  	s23 =	sshll.u32 s23, $0x6;
	v3 =	vmul.f32 v3, v3;
	v10 =	vld [tilespmem:s20+$0xC100];
	v6 =	vadd.f32 v8, v6;
	v1 =	vadd.f32 v1, v7  }
0x129: {  	s23 =	sadd.s32 s23, s21;
	v2 =	vmul.f32 v2, v2;
	v4 =	vsub.f32 v4, v13;
	v7 =	vld [tilespmem:s20+$0x8180]  }
0x12a: {  	s24 =	sor.u32 $0x200, s23;
	v8 =	vld [tilespmem:s20+$0xC180];
	v3 =	vadd.f32 v3, v6;
	v0 =	vadd.f32 v0, v1;
	v1 =	vmul.f32 v5, v5  }
0x12b: {  	v5 =	vmul.f32 v13, v13;
	v6 =	vsub.f32 v11, v12;
	v11 =	vld [tilespmem:s24+$0x8000]  }
0x12c: {  	v4 =	vmul.f32 v4, v4;
	v13 =	vld [tilespmem:s24+$0xC000];
	s24 =	sor.u32 $0x280, s23;
	v1 =	vadd.f32 v1, v3;
	v0 =	vadd.f32 v2, v0  }
0x12d: {  	v2 =	vmul.f32 v12, v12;
	v3 =	vsub.f32 v9, v10;
	v9 =	vld [tilespmem:s24+$0x8000]  }
0x12e: {  	v1 =	vadd.f32 v4, v1;
	v0 =	vadd.f32 v5, v0;
	v4 =	vmul.f32 v6, v6;
	v5 =	vld [tilespmem:s24+$0xC000];
	s24 =	sor.u32 $0x300, s23  }
0x12f: {  	v6 =	vmul.f32 v10, v10;
	v7 =	vsub.f32 v7, v8;
	v10 =	vld [tilespmem:s24+$0x8000]  }
0x130: {  	v1 =	vadd.f32 v4, v1;
	v0 =	vadd.f32 v2, v0;
	v2 =	vmul.f32 v3, v3;
	v3 =	vld [tilespmem:s24+$0xC000];
	s24 =	sor.u32 $0x380, s23  }
0x131: {  	v4 =	vmul.f32 v8, v8;
	v8 =	vsub.f32 v11, v13;
	v11 =	vld [tilespmem:s24+$0x8000]  }
0x132: {  	v1 =	vadd.f32 v2, v1;
	v0 =	vadd.f32 v6, v0;
	v2 =	vmul.f32 v7, v7;
	v6 =	vld [tilespmem:s24+$0xC000]  }
0x133: {  	v7 =	vmul.f32 v13, v13;
	v9 =	vsub.f32 v9, v5;
	v12 =	vld [tilespmem:s20+$0x8010]  }
0x134: {  	v1 =	vadd.f32 v2, v1;
	v0 =	vadd.f32 v4, v0;
	v2 =	vmul.f32 v8, v8;
	v4 =	vld [tilespmem:s20+$0xC010]  }
0x135: {  	v5 =	vmul.f32 v5, v5;
	v8 =	vsub.f32 v10, v3;
	v10 =	vld [tilespmem:s20+$0x8090]  }
0x136: {  	v1 =	vadd.f32 v2, v1;
	v0 =	vadd.f32 v7, v0;
	v2 =	vmul.f32 v9, v9;
	v7 =	vld [tilespmem:s20+$0xC090]  }
0x137: {  	v3 =	vmul.f32 v3, v3;
	v9 =	vsub.f32 v11, v6;
	v11 =	vld [tilespmem:s20+$0x8110]  }
0x138: {  	v1 =	vadd.f32 v2, v1;
	v0 =	vadd.f32 v5, v0;
	v2 =	vmul.f32 v8, v8;
	v5 =	vld [tilespmem:s20+$0xC110]  }
0x139: {  	s24 =	sadd.s32 $0x10, s23;
	v6 =	vmul.f32 v6, v6;
	v8 =	vsub.f32 v12, v4;
	v12 =	vld [tilespmem:s20+$0x8190]  }
0x13a: {  	s25 =	sor.u32 $0x200, s24;
	v1 =	vadd.f32 v2, v1;
	v0 =	vadd.f32 v3, v0;
	v2 =	vmul.f32 v9, v9;
	v3 =	vld [tilespmem:s20+$0xC190]  }
0x13b: {  	v4 =	vmul.f32 v4, v4;
	v9 =	vsub.f32 v10, v7;
	v10 =	vld [tilespmem:s25+$0x8000]  }
0x13c: {  	v1 =	vadd.f32 v2, v1;
	v0 =	vadd.f32 v6, v0;
	v2 =	vmul.f32 v8, v8;
	v6 =	vld [tilespmem:s25+$0xC000];
	s25 =	sor.u32 $0x280, s24  }
0x13d: {  	v7 =	vmul.f32 v7, v7;
	v8 =	vsub.f32 v11, v5;
	v11 =	vld [tilespmem:s25+$0x8000]  }
0x13e: {  	v1 =	vadd.f32 v2, v1;
	v0 =	vadd.f32 v4, v0;
	v2 =	vmul.f32 v9, v9;
	v4 =	vld [tilespmem:s25+$0xC000];
	s25 =	sor.u32 $0x300, s24  }
0x13f: {  	v5 =	vmul.f32 v5, v5;
	v9 =	vsub.f32 v12, v3;
	v12 =	vld [tilespmem:s25+$0x8000]  }
0x140: {  	s24 =	sor.u32 $0x380, s24;
	v1 =	vadd.f32 v2, v1;
	v0 =	vadd.f32 v7, v0;
	v2 =	vmul.f32 v8, v8;
	v7 =	vld [tilespmem:s25+$0xC000]  }
0x141: {  	v3 =	vmul.f32 v3, v3;
	v8 =	vsub.f32 v10, v6;
	v10 =	vld [tilespmem:s24+$0x8000]  }
0x142: {  	v1 =	vadd.f32 v2, v1;
	v0 =	vadd.f32 v5, v0;
	v2 =	vmul.f32 v9, v9;
	v5 =	vld [tilespmem:s24+$0xC000]  }
0x143: {  	v6 =	vmul.f32 v6, v6;
	v9 =	vsub.f32 v11, v4;
	v11 =	vld [tilespmem:s20+$0x8020]  }
0x144: {  	v1 =	vadd.f32 v2, v1;
	v0 =	vadd.f32 v3, v0;
	v2 =	vmul.f32 v8, v8;
	v3 =	vld [tilespmem:s20+$0xC020]  }
0x145: {  	v4 =	vmul.f32 v4, v4;
	v8 =	vsub.f32 v12, v7;
	v12 =	vld [tilespmem:s20+$0x80A0]  }
0x146: {  	v1 =	vadd.f32 v2, v1;
	v0 =	vadd.f32 v6, v0;
	v2 =	vmul.f32 v9, v9;
	v6 =	vld [tilespmem:s20+$0xC0A0]  }
0x147: {  	v7 =	vmul.f32 v7, v7;
	v9 =	vsub.f32 v10, v5;
	v10 =	vld [tilespmem:s20+$0x8120]  }
0x148: {  	v1 =	vadd.f32 v2, v1;
	v0 =	vadd.f32 v4, v0;
	v2 =	vmul.f32 v8, v8;
	v4 =	vld [tilespmem:s20+$0xC120]  }
0x149: {  	s24 =	sadd.s32 $0x20, s23;
	v5 =	vmul.f32 v5, v5;
	v8 =	vsub.f32 v11, v3;
	v11 =	vld [tilespmem:s20+$0x81A0]  }
0x14a: {  	s25 =	sor.u32 $0x200, s24;
	v1 =	vadd.f32 v2, v1;
	v0 =	vadd.f32 v7, v0;
	v2 =	vmul.f32 v9, v9;
	v7 =	vld [tilespmem:s20+$0xC1A0]  }
0x14b: {  	v3 =	vmul.f32 v3, v3;
	v9 =	vsub.f32 v12, v6;
	v12 =	vld [tilespmem:s25+$0x8000]  }
0x14c: {  	v1 =	vadd.f32 v2, v1;
	v0 =	vadd.f32 v5, v0;
	v2 =	vmul.f32 v8, v8;
	v5 =	vld [tilespmem:s25+$0xC000];
	s25 =	sor.u32 $0x280, s24  }
0x14d: {  	v6 =	vmul.f32 v6, v6;
	v8 =	vsub.f32 v10, v4;
	v10 =	vld [tilespmem:s25+$0x8000]  }
0x14e: {  	v1 =	vadd.f32 v2, v1;
	v0 =	vadd.f32 v3, v0;
	v2 =	vmul.f32 v9, v9;
	v3 =	vld [tilespmem:s25+$0xC000];
	s25 =	sor.u32 $0x300, s24  }
0x14f: {  	v4 =	vmul.f32 v4, v4;
	v9 =	vsub.f32 v11, v7;
	v11 =	vld [tilespmem:s25+$0x8000]  }
0x150: {  	s24 =	sor.u32 $0x380, s24;
	v1 =	vadd.f32 v2, v1;
	v0 =	vadd.f32 v6, v0;
	v2 =	vmul.f32 v8, v8;
	v6 =	vld [tilespmem:s25+$0xC000]  }
0x151: {  	v7 =	vmul.f32 v7, v7;
	v8 =	vsub.f32 v12, v5;
	v12 =	vld [tilespmem:s24+$0x8000]  }
0x152: {  	v1 =	vadd.f32 v2, v1;
	v0 =	vadd.f32 v4, v0;
	v2 =	vmul.f32 v9, v9;
	v4 =	vld [tilespmem:s24+$0xC000]  }
0x153: {  	v5 =	vmul.f32 v5, v5;
	v9 =	vsub.f32 v10, v3;
	v10 =	vld [tilespmem:s20+$0x8030]  }
0x154: {  	v1 =	vadd.f32 v2, v1;
	v0 =	vadd.f32 v7, v0;
	v2 =	vmul.f32 v8, v8;
	v7 =	vld [tilespmem:s20+$0xC030]  }
0x155: {  	v3 =	vmul.f32 v3, v3;
	v8 =	vsub.f32 v11, v6;
	v11 =	vld [tilespmem:s20+$0x80B0]  }
0x156: {  	v1 =	vadd.f32 v2, v1;
	v0 =	vadd.f32 v5, v0;
	v2 =	vmul.f32 v9, v9;
	v5 =	vld [tilespmem:s20+$0xC0B0]  }
0x157: {  	v6 =	vmul.f32 v6, v6;
	v9 =	vsub.f32 v12, v4;
	v12 =	vld [tilespmem:s20+$0x8130]  }
0x158: {  	v1 =	vadd.f32 v2, v1;
	v0 =	vadd.f32 v3, v0;
	v2 =	vmul.f32 v8, v8;
	v3 =	vld [tilespmem:s20+$0xC130]  }
0x159: {  	s23 =	sadd.s32 $0x30, s23;
	v4 =	vmul.f32 v4, v4;
	v8 =	vsub.f32 v10, v7;
	v10 =	vld [tilespmem:s20+$0x81B0]  }
0x15a: {  	v1 =	vadd.f32 v2, v1;
	v0 =	vadd.f32 v6, v0;
	v2 =	vmul.f32 v9, v9;
	v6 =	vld [tilespmem:s20+$0xC1B0];
	s20 =	sor.u32 $0x200, s23  }
0x15b: {  	v7 =	vmul.f32 v7, v7;
	v9 =	vsub.f32 v11, v5;
	v11 =	vld [tilespmem:s20+$0x8000]  }
0x15c: {  	v1 =	vadd.f32 v2, v1;
	v0 =	vadd.f32 v4, v0;
	v2 =	vmul.f32 v8, v8;
	v8 =	vld [tilespmem:s20+$0xC000];
	s20 =	sor.u32 $0x280, s23  }
0x15d: {  	v4 =	vmul.f32 v5, v5;
	v5 =	vsub.f32 v12, v3;
	v13 =	vld [tilespmem:s20+$0x8000]  }
0x15e: {  	v2 =	vadd.f32 v2, v1;
	v0 =	vadd.f32 v7, v0;
	v7 =	vmul.f32 v9, v9;
	v1 =	vld [tilespmem:s20+$0xC000];
	s20 =	sor.u32 $0x300, s23  }
.Ltmp1:
0x15f: {  	v9 =	vmul.f32 v3, v3;
	v12 =	vsub.f32 v10, v6;
	v3 =	vld [tilespmem:s20+$0x8000];
	(pc) =	sbr.rel @p1 .LBB2_5-.Ltmp1, $4  }
0x160: {  	s21 =	sadd.s32 $0x200, s21;
	s23 =	sor.u32 $0x380, s23;
	v10 =	vmul.f32 v5, v5;
	v2 =	vadd.f32 v7, v2;
	v4 =	vadd.f32 v4, v0;
	v0 =	vld [tilespmem:s20+$0xC000]  }
0x161: {  	s24 =	sand.u32 $0x3C00, s21;
	s20 =	sand.u32 $0x40, s22;
	v7 =	vmul.f32 v6, v6;
	v6 =	vsub.f32 v11, v8;
	v5 =	vld [tilespmem:s23+$0x8000]  }
0x162: {  	s20 =	sor.u32 s20, s24;
	v12 =	vmul.f32 v12, v12;
	v10 =	vadd.f32 v10, v2;
	v11 =	vadd.f32 v9, v4;
	v2 =	vld [tilespmem:s23+$0xC000]  }
0x163: {  	s22 =	sadd.s32 $0x40, s22;
	v8 =	vmul.f32 v8, v8;
	v4 =	vld [tilespmem:s20+$0x8000];
	v9 =	vsub.f32 v13, v1  }
0x164: {  	v13 =	vld [tilespmem:s20+$0xC000];
	v10 =	vadd.f32 v12, v10;
	v7 =	vadd.f32 v7, v11;
	v6 =	vmul.f32 v6, v6  }
0x165: {  	v20 =	vld [tilespmem:s20+$0x8080];
	v1 =	vmul.f32 v1, v1;
	v3 =	vsub.f32 v3, v0  }
0x166: {  	v21 =	vld [tilespmem:s20+$0xC080];
	p0 =	por !p0, !p0;
	s22 =	simm.s32 $0x1;
	v22 =	vmul.f32 v9, v9;
	v6 =	vadd.f32 v6, v10;
	v7 =	vadd.f32 v8, v7  }
0x167: {  	v23 =	vld [tilespmem:s20+$0x8100];
	s22 =	simm.s32 @!p0 $0x0;
	v0 =	vmul.f32 v0, v0;
	v5 =	vsub.f32 v5, v2  }
0x168: {  	v24 =	vld [tilespmem:s20+$0xC100];
	s22 =	sshll.u32 s22, $0x6;
	v3 =	vmul.f32 v3, v3;
	v6 =	vadd.f32 v22, v6;
	v1 =	vadd.f32 v1, v7  }
0x169: {  	v25 =	vld [tilespmem:s20+$0x8180];
	s21 =	sadd.s32 s22, s21;
	v2 =	vmul.f32 v2, v2;
	v4 =	vsub.f32 v4, v13  }
0x16a: {  	v26 =	vld [tilespmem:s20+$0xC180];
	s22 =	sor.u32 $0x200, s21;
	v3 =	vadd.f32 v3, v6;
	v0 =	vadd.f32 v0, v1;
	v1 =	vmul.f32 v5, v5  }
0x16b: {  	v27 =	vmul.f32 v13, v13;
	v28 =	vsub.f32 v20, v21;
	v29 =	vld [tilespmem:s22+$0x8000]  }
0x16c: {  	s24 =	sor.u32 $0x280, s21;
	v30 =	vld [tilespmem:s22+$0xC000];
	v4 =	vmul.f32 v4, v4;
	v1 =	vadd.f32 v1, v3;
	v0 =	vadd.f32 v2, v0  }
0x16d: {  	v31 =	vld [tilespmem:s24+$0x8000];
	v32 =	vmul.f32 v28, v28;
	v3 =	vsub.f32 v23, v24  }
0x16e: {  	s25 =	sor.u32 $0x300, s21;
	v33 =	vld [tilespmem:s24+$0xC000];
	v2 =	vmul.f32 v21, v21;
	v1 =	vadd.f32 v4, v1;
	v0 =	vadd.f32 v27, v0  }
0x16f: {  	v34 =	vmul.f32 v24, v24;
	v7 =	vsub.f32 v25, v26;
	v35 =	vld [tilespmem:s25+$0x8000]  }
0x170: {  	s26 =	sor.u32 $0x380, s21;
	v1 =	vadd.f32 v32, v1;
	v0 =	vadd.f32 v2, v0;
	v2 =	vmul.f32 v3, v3;
	v3 =	vld [tilespmem:s25+$0xC000]  }
0x171: {  	v36 =	vmul.f32 v26, v26;
	v38 =	vld [tilespmem:s26+$0x8000];
	v37 =	vsub.f32 v29, v30  }
0x172: {  	v39 =	vld [tilespmem:s26+$0xC000];
	v1 =	vadd.f32 v2, v1;
	v0 =	vadd.f32 v34, v0;
	v2 =	vmul.f32 v7, v7  }
0x173: {  	v41 =	vld [tilespmem:s20+$0x8010];
	v40 =	vmul.f32 v30, v30;
	v9 =	vsub.f32 v31, v33  }
0x174: {  	v42 =	vld [tilespmem:s20+$0xC010];
	v1 =	vadd.f32 v2, v1;
	v0 =	vadd.f32 v36, v0;
	v2 =	vmul.f32 v37, v37  }
0x175: {  	v44 =	vld [tilespmem:s20+$0x8090];
	v5 =	vmul.f32 v33, v33;
	v43 =	vsub.f32 v35, v3  }
0x176: {  	v45 =	vld [tilespmem:s20+$0xC090];
	v1 =	vadd.f32 v2, v1;
	v0 =	vadd.f32 v40, v0;
	v2 =	vmul.f32 v9, v9  }
0x177: {  	v47 =	vld [tilespmem:s20+$0x8110];
	v46 =	vsub.f32 v38, v39;
	v3 =	vmul.f32 v3, v3  }
0x178: {  	v48 =	vld [tilespmem:s20+$0xC110];
	v1 =	vadd.f32 v2, v1;
	v0 =	vadd.f32 v5, v0;
	v2 =	vmul.f32 v43, v43  }
0x179: {  	v50 =	vld [tilespmem:s20+$0x8190];
	s28 =	sadd.s32 $0x10, s21;
	v49 =	vsub.f32 v41, v42;
	v6 =	vmul.f32 v39, v39  }
0x17a: {  	s23 =	sor.u32 $0x200, s28;
	v1 =	vadd.f32 v2, v1;
	v0 =	vadd.f32 v3, v0;
	v2 =	vmul.f32 v46, v46;
	v3 =	vld [tilespmem:s20+$0xC190]  }
0x17b: {  	v51 =	vsub.f32 v44, v45;
	v52 =	vld [tilespmem:s23+$0x8000];
	v4 =	vmul.f32 v42, v42  }
0x17c: {  	s29 =	sor.u32 $0x280, s28;
	v53 =	vld [tilespmem:s23+$0xC000];
	v1 =	vadd.f32 v2, v1;
	v0 =	vadd.f32 v6, v0;
	v2 =	vmul.f32 v49, v49  }
0x17d: {  	v54 =	vsub.f32 v47, v48;
	v55 =	vld [tilespmem:s29+$0x8000];
	v7 =	vmul.f32 v45, v45  }
0x17e: {  	s30 =	sor.u32 $0x300, s28;
	v56 =	vld [tilespmem:s29+$0xC000];
	v1 =	vadd.f32 v2, v1;
	v0 =	vadd.f32 v4, v0;
	v2 =	vmul.f32 v51, v51  }
0x17f: {  	v58 =	vld [tilespmem:s30+$0x8000];
	v5 =	vmul.f32 v48, v48;
	v57 =	vsub.f32 v50, v3  }
0x180: {  	s22 =	sor.u32 $0x380, s28;
	v59 =	vld [tilespmem:s30+$0xC000];
	v1 =	vadd.f32 v2, v1;
	v0 =	vadd.f32 v7, v0;
	v2 =	vmul.f32 v54, v54  }
0x181: {  	v61 =	vld [tilespmem:s22+$0x8000];
	v60 =	vsub.f32 v52, v53;
	v3 =	vmul.f32 v3, v3  }
0x182: {  	v62 =	vld [tilespmem:s22+$0xC000];
	v1 =	vadd.f32 v2, v1;
	v0 =	vadd.f32 v5, v0;
	v2 =	vmul.f32 v57, v57  }
0x183: {  	v16 =	vld [tilespmem:s20+$0x8020];
	v63 =	vsub.f32 v55, v56;
	v6 =	vmul.f32 v53, v53  }
0x184: {  	v1 =	vadd.f32 v2, v1;
	v0 =	vadd.f32 v3, v0;
	v2 =	vmul.f32 v60, v60;
	v3 =	vld [tilespmem:s20+$0xC020]  }
0x185: {  	v18 =	vld [tilespmem:s20+$0x80A0];
	v17 =	vsub.f32 v58, v59;
	v4 =	vmul.f32 v56, v56  }
0x186: {  	v19 =	vld [tilespmem:s20+$0xC0A0];
	v1 =	vadd.f32 v2, v1;
	v0 =	vadd.f32 v6, v0;
	v2 =	vmul.f32 v63, v63  }
0x187: {  	v22 =	vld [tilespmem:s20+$0xC120];
	v20 =	vsub.f32 v61, v62;
	v7 =	vmul.f32 v59, v59  }
0x188: {  	v21 =	vld [tilespmem:s20+$0x8120];
	v1 =	vadd.f32 v2, v1;
	v0 =	vadd.f32 v4, v0;
	v2 =	vmul.f32 v17, v17  }
0x189: {  	s31 =	sadd.s32 $0x20, s21;
	v25 =	vld [tilespmem:s20+$0xC1A0];
	v5 =	vmul.f32 v62, v62;
	v23 =	vsub.f32 v16, v3  }
0x18a: {  	s24 =	sor.u32 $0x200, s31;
	v24 =	vld [tilespmem:s20+$0x81A0];
	v1 =	vadd.f32 v2, v1;
	v0 =	vadd.f32 v7, v0;
	v2 =	vmul.f32 v20, v20  }
0x18b: {  	v26 =	vsub.f32 v18, v19;
	v28 =	vld [tilespmem:s24+$0xC000];
	v3 =	vmul.f32 v3, v3  }
0x18c: {  	v27 =	vld [tilespmem:s24+$0x8000];
	s25 =	sor.u32 $0x280, s31;
	v1 =	vadd.f32 v2, v1;
	v0 =	vadd.f32 v5, v0;
	v2 =	vmul.f32 v23, v23  }
0x18d: {  	v29 =	vsub.f32 v21, v22;
	v30 =	vld [tilespmem:s25+$0x8000];
	v6 =	vmul.f32 v19, v19  }
0x18e: {  	s26 =	sor.u32 $0x300, s31;
	v1 =	vadd.f32 v2, v1;
	v0 =	vadd.f32 v3, v0;
	v2 =	vmul.f32 v26, v26;
	v3 =	vld [tilespmem:s25+$0xC000]  }
0x18f: {  	v33 =	vld [tilespmem:s26+$0xC000];
	v31 =	vsub.f32 v24, v25;
	v4 =	vmul.f32 v22, v22  }
0x190: {  	s22 =	sor.u32 $0x380, s31;
	v32 =	vld [tilespmem:s26+$0x8000];
	v1 =	vadd.f32 v2, v1;
	v0 =	vadd.f32 v6, v0;
	v2 =	vmul.f32 v29, v29  }
0x191: {  	v34 =	vsub.f32 v27, v28;
	v36 =	vld [tilespmem:s22+$0xC000];
	v7 =	vmul.f32 v25, v25  }
0x192: {  	v35 =	vld [tilespmem:s22+$0x8000];
	v1 =	vadd.f32 v2, v1;
	v0 =	vadd.f32 v4, v0;
	v2 =	vmul.f32 v31, v31  }
0x193: {  	v38 =	vld [tilespmem:s20+$0x8030];
	v5 =	vmul.f32 v28, v28;
	v37 =	vsub.f32 v30, v3  }
0x194: {  	v39 =	vld [tilespmem:s20+$0xC030];
	v1 =	vadd.f32 v2, v1;
	v0 =	vadd.f32 v7, v0;
	v2 =	vmul.f32 v34, v34  }
0x195: {  	v41 =	vld [tilespmem:s20+$0x80B0];
	v40 =	vsub.f32 v32, v33;
	v3 =	vmul.f32 v3, v3  }
0x196: {  	v42 =	vld [tilespmem:s20+$0xC0B0];
	v1 =	vadd.f32 v2, v1;
	v0 =	vadd.f32 v5, v0;
	v2 =	vmul.f32 v37, v37  }
0x197: {  	v44 =	vld [tilespmem:s20+$0x8130];
	v43 =	vsub.f32 v35, v36;
	v6 =	vmul.f32 v33, v33  }
0x198: {  	v1 =	vadd.f32 v2, v1;
	v0 =	vadd.f32 v3, v0;
	v2 =	vmul.f32 v40, v40;
	v3 =	vld [tilespmem:s20+$0xC130]  }
0x199: {  	s21 =	sadd.s32 $0x30, s21;
	v47 =	vld [tilespmem:s20+$0xC1B0];
	v45 =	vsub.f32 v38, v39;
	v4 =	vmul.f32 v36, v36  }
0x19a: {  	s28 =	sor.u32 $0x200, s21;
	v46 =	vld [tilespmem:s20+$0x81B0];
	v1 =	vadd.f32 v2, v1;
	v0 =	vadd.f32 v6, v0;
	v2 =	vmul.f32 v43, v43  }
0x19b: {  	v48 =	vsub.f32 v41, v42;
	v49 =	vld [tilespmem:s28+$0x8000];
	v7 =	vmul.f32 v39, v39  }
0x19c: {  	s29 =	sor.u32 $0x280, s21;
	v50 =	vld [tilespmem:s28+$0xC000];
	v1 =	vadd.f32 v2, v1;
	v0 =	vadd.f32 v4, v0;
	v2 =	vmul.f32 v45, v45  }
0x19d: {  	v52 =	vld [tilespmem:s29+$0x8000];
	v5 =	vmul.f32 v42, v42;
	v51 =	vsub.f32 v44, v3  }
0x19e: {  	s30 =	sor.u32 $0x300, s21;
	v53 =	vld [tilespmem:s29+$0xC000];
	v1 =	vadd.f32 v2, v1;
	v0 =	vadd.f32 v7, v0;
	v2 =	vmul.f32 v48, v48  }
0x19f: {  	v55 =	vld [tilespmem:s30+$0x8000];
	v54 =	vsub.f32 v46, v47;
	v3 =	vmul.f32 v3, v3  }
0x1a0: {  	s31 =	sor.u32 $0x380, s21;
	v56 =	vld [tilespmem:s30+$0xC000];
	v1 =	vadd.f32 v2, v1;
	v0 =	vadd.f32 v5, v0;
	v2 =	vmul.f32 v51, v51  }
0x1a1: {  	v58 =	vld [tilespmem:s31+$0x8000];
	v57 =	vsub.f32 v49, v50;
	v6 =	vmul.f32 v47, v47  }
0x1a2: {  	v1 =	vadd.f32 v2, v1;
	v0 =	vadd.f32 v3, v0;
	v2 =	vmul.f32 v54, v54;
	v3 =	vld [tilespmem:s31+$0xC000]  }
0x1a3: {  	v59 =	vsub.f32 v52, v53;
	v4 =	vmul.f32 v50, v50  }
0x1a4: {  	v1 =	vadd.f32 v2, v1;
	v0 =	vadd.f32 v6, v0;
	v2 =	vmul.f32 v57, v57  }
0x1a5: {  	v61 =	vsub.f32 v55, v56;
	v60 =	vmul.f32 v53, v53  }
0x1a6: {  	s19 =	sadd.s32 $0x1, s19;
	v1 =	vadd.f32 v2, v1;
	v0 =	vadd.f32 v4, v0;
	v2 =	vmul.f32 v59, v59  }
0x1a7: {  	p0 =	sne.s32 s19, $0x8;
	v62 =	vmul.f32 v56, v56;
	v63 =	vsub.f32 v58, v3  }
.Ltmp2:
0x1a8: {  	v1 =	vadd.f32 v2, v1;
	v0 =	vadd.f32 v60, v0;
	v2 =	vmul.f32 v61, v61;
	(pc) =	sbr.rel @p0 .LBB2_2-.Ltmp2, $3  }
0x1a9: {  	v3 =	vmul.f32 v3, v3  }
0x1aa: {  	v1 =	vadd.f32 v2, v1;
	v0 =	vadd.f32 v62, v0;
	v2 =	vmul.f32 v63, v63;
	_ =	sdelay $0x1  }
0x1ab: {  	v1 =	vadd.f32 v2, v1;
	v0 =	vadd.f32 v3, v0  }
0x1ac: {  	_ =	swait.ge [sflag:s12], $0x4000  }
0x1ad: {  	[sflag:s12] =	ssyncset.done $0x0  }
0x1ae: {  	[sflag:s12] =	ssyncadd.s32 $0xFFFFC000  }
0x1af: {  	_ =	swait.ge [sflag:s12], $0x4000  }
0x1b0: {  	[sflag:s12] =	ssyncset.done $0x0  }
0x1b1: {  	s18 =	sadd.s32 $0x1, s18;
	[sflag:s12] =	ssyncadd.s32 $0xFFFFC000  }
0x1b2: {  	p0 =	sne.s32 s18, s10;
	[tilespmem:$0x10000] =	vst v1  }
.Ltmp3:
0x1b3: {  	[tilespmem:$0x10010] =	vst v0;
	(pc) =	sbr.rel @p0 .LBB2_1-.Ltmp3, $4  }
0x1b4: {  	[hbm4b:s9+s4] =	stream.linear.scatter [tilespmem:s16], [sflag:$0x3], $0x80, $0x38;
	[tilespmem:$0x10080] =	vst v63  }
0x1b5: {  	_ =	swait.ge [sflag:s17], $0x80  }
0x1b6: {  	[sflag:s17] =	ssyncset.done $0x0  }
0x1b7: {  	[sflag:s17] =	ssyncadd.s32 $0xFFFFFF80  }
0x1b8: {  	_ =	sfence.sel $0x180000  }
0x1b9: {  	[bflag:$0x0] =	sbarrier.arrive $0xFFFF  }
0x1ba: {  	p0 =	sne.s32 s0, $0x0;
	_ =	strace $0x90000047  }
0x1bb: {  	s0 =	sadd.s32 @!p0 $0x100000, s2;
	[bflag:$0x2] =	sbarrier.arrive $0xFFFF  }
0x1bc: {  	[sflag:s0] =	ssyncadd.tile.s32 @!p0 $0x1;
	_ =	shalt  }
.Lfunc_end2:
_tile_overlayer_lowered:
.L_overlay_start_2:
0x1bd: {  	(tag) =	ssettag $0x2  }
0x1be: {  	s0 =	rddreg [dreg:$0x0];
	s2 =	stileid.u32  }
0x1bf: {  	s1 =	rddreg [dreg:$0x1];
	p0 =	sne.s32 s2, $0x0  }
0x1c0: {  	s3 =	rddreg [dreg:$0x2];
	[bflag:$0x3] =	sbarrier.arrive $0xFFFF;
	s2 =	simm.s32 @!p0 $0x1C03  }
0x1c1: {  	[timem:s3], [sflag:s2] =	dma.local @!p0 [hbm:s0], s1  }
0x1c2: {  	s0 =	simm.s32 @!p0 $0x3  }
0x1c3: {  	_ =	swait.ge @!p0 [sflag:s0], s1  }
0x1c4: {  	s1 =	ssub.s32 @!p0 $0x0, s1;
	[sflag:s0] =	ssyncset.done @!p0 $0x0  }
0x1c5: {  	[sflag:s0] =	ssyncadd.s32 @!p0 s1  }
0x1c6: {  	[bflag:$0x3] =	sbarrier.arrive $0xFFFF  }
0x1c7: {  	_ =	shalt  }

</sc_bundles>
